<compile_context>
chip_gen: v7x
topology: tpu7x:2x2x1
jax: 0.10.2.dev20260603
libtpu: 0.0.44.dev20260713+nightly
codegen_flags: <defaults>
</compile_context>

<pallas_src>
import functools

import jax
import jax.numpy as jnp
from jax import lax
from jax.experimental import pallas as pl
from jax.experimental.pallas import tpu as pltpu
from jax.experimental.pallas import tpu_sc as plsc

DIM = 1024
N_EXPERTS = 64
TOP_K = 2
INTER = 256
T = 256
A = 512
SLOTS = 1024
CH = 8
EPS = 4


def _nt(a, b):
    return lax.dot_general(a, b, (((1,), (1,)), ((), ())),
                           preferred_element_type=jnp.float32)


def _route_body(x_ref, gw_ref, bias_ref, sw1_ref, sw2_ref, sw3_ref,
                xs_ref, dest_ref, wb_ref, offs_ref, pcnt_ref, sh_ref):
    xv = x_ref[...]
    scores = _nt(xv, gw_ref[...]) + bias_ref[...]
    smax = jnp.max(scores, axis=1, keepdims=True)
    ex = jnp.exp(scores - smax)
    probs = ex / jnp.sum(ex, axis=1, keepdims=True)
    idxe = lax.broadcasted_iota(jnp.int32, (T, N_EXPERTS), 1)
    big = jnp.int32(10_000)
    m1 = jnp.max(probs, axis=1, keepdims=True)
    i1 = jnp.min(jnp.where(probs >= m1, idxe, big), axis=1, keepdims=True)
    pm = jnp.where(idxe == i1, jnp.float32(-1.0), probs)
    m2 = jnp.max(pm, axis=1, keepdims=True)
    i2 = jnp.min(jnp.where(pm >= m2, idxe, big), axis=1, keepdims=True)
    wsum = m1 + m2 + jnp.float32(1e-8)
    wn1 = m1 / wsum
    wn2 = m2 / wsum

    e_col = jnp.concatenate([i1, i2], axis=0)
    w_col = jnp.concatenate([wn1, wn2], axis=0)
    iota_e = lax.broadcasted_iota(jnp.int32, (1, N_EXPERTS), 1)
    amat = (e_col == iota_e).astype(jnp.float32)
    ra = lax.broadcasted_iota(jnp.int32, (A, A), 0)
    ca = lax.broadcasted_iota(jnp.int32, (A, A), 1)
    ltri = (ca <= ra).astype(jnp.float32)
    cum = jnp.dot(ltri, amat, preferred_element_type=jnp.float32)
    rank = jnp.sum(cum * amat, axis=1, keepdims=True) - 1.0
    counts = jnp.sum(amat, axis=0, keepdims=True)
    pcnt = jnp.floor((counts + 7.0) * 0.125) * 8.0
    re = lax.broadcasted_iota(jnp.int32, (N_EXPERTS, N_EXPERTS), 0)
    ce = lax.broadcasted_iota(jnp.int32, (N_EXPERTS, N_EXPERTS), 1)
    umat = (re < ce).astype(jnp.float32)
    offs = jnp.dot(pcnt, umat, preferred_element_type=jnp.float32)
    dest = jnp.sum(amat * offs, axis=1, keepdims=True) + rank
    dest_i = dest.astype(jnp.int32)
    iota_p = lax.broadcasted_iota(jnp.int32, (1, SLOTS), 1)
    omat = (dest_i == iota_p).astype(jnp.float32)
    xx = jnp.concatenate([xv, xv], axis=0)
    xs_ref[...] = lax.dot_general(
        omat, xx, (((0,), (0,)), ((), ())),
        preferred_element_type=jnp.float32)

    dest_ref[...] = dest_i
    wb_ref[...] = jnp.broadcast_to(w_col, (A, 16))
    offs_ref[...] = offs.astype(jnp.int32)
    pcnt_ref[...] = pcnt.astype(jnp.int32)

    s1 = _nt(xv, sw1_ref[...])
    s3 = _nt(xv, sw3_ref[...])
    hs = s1 * (1.0 / (1.0 + jnp.exp(-s1))) * s3
    sh_ref[...] = _nt(hs, sw2_ref[...])


def _route(x_flat, gate_weight, bias_row, sw1, sw2, sw3):
    outs = (
        jax.ShapeDtypeStruct((SLOTS, DIM), jnp.float32),
        jax.ShapeDtypeStruct((A, 1), jnp.int32),
        jax.ShapeDtypeStruct((A, 16), jnp.float32),
        jax.ShapeDtypeStruct((1, N_EXPERTS), jnp.int32),
        jax.ShapeDtypeStruct((1, N_EXPERTS), jnp.int32),
        jax.ShapeDtypeStruct((T, DIM), jnp.float32),
    )
    return pl.pallas_call(_route_body, out_shape=outs)(
        x_flat, gate_weight, bias_row, sw1, sw2, sw3)


def _expert_body(offs_ref, pcnt_ref, x_ref, w1_ref, w3_ref, w2_ref, o_ref):
    g = pl.program_id(0)
    for i in range(EPS):
        off = offs_ref[g * EPS + i]
        cnt = pcnt_ref[g * EPS + i]
        w1b = w1_ref[i]
        w3b = w3_ref[i]
        w2b = w2_ref[i]

        def chunk(j, carry, off=off, w1b=w1b, w3b=w3b, w2b=w2b):
            base = pl.multiple_of(off + j * CH, CH)
            xs = x_ref[pl.ds(base, CH), :]
            h1 = _nt(xs, w1b)
            h3 = _nt(xs, w3b)
            h = h1 * (1.0 / (1.0 + jnp.exp(-h1))) * h3
            o_ref[pl.ds(base, CH), :] = _nt(h, w2b)
            return carry

        lax.fori_loop(0, cnt // CH, chunk, 0)


def _experts(offs, pcnt, x_sorted, w1, w3, w2):
    grid_spec = pltpu.PrefetchScalarGridSpec(
        num_scalar_prefetch=2,
        grid=(N_EXPERTS // EPS,),
        in_specs=[
            pl.BlockSpec((SLOTS, DIM), lambda g, *_: (0, 0)),
            pl.BlockSpec((EPS, INTER, DIM), lambda g, *_: (g, 0, 0)),
            pl.BlockSpec((EPS, INTER, DIM), lambda g, *_: (g, 0, 0)),
            pl.BlockSpec((EPS, DIM, INTER), lambda g, *_: (g, 0, 0)),
        ],
        out_specs=pl.BlockSpec((SLOTS, DIM), lambda g, *_: (0, 0)),
    )
    return pl.pallas_call(
        _expert_body,
        grid_spec=grid_spec,
        out_shape=jax.ShapeDtypeStruct((SLOTS, DIM), jnp.float32),
    )(offs, pcnt, x_sorted, w1, w3, w2)


def _sc_combine(out_sorted, dest, wb, shared):
    info = plsc.get_sparse_core_info()
    nw = info.num_cores * info.num_subcores
    t_per_w = T // nw
    n_idx = 2 * t_per_w
    mesh = plsc.VectorSubcoreMesh(core_axis_name="c", subcore_axis_name="s")

    @functools.partial(
        pl.kernel,
        out_type=jax.ShapeDtypeStruct((T, DIM), jnp.float32),
        mesh=mesh,
        scratch_types=[
            pltpu.VMEM((n_idx,), jnp.int32),
            pltpu.VMEM((n_idx, 16), jnp.float32),
            pltpu.VMEM((n_idx, DIM), jnp.float32),
            pltpu.VMEM((t_per_w, DIM), jnp.float32),
            pltpu.VMEM((t_per_w, DIM), jnp.float32),
            pltpu.SemaphoreType.DMA,
        ],
    )
    def k(os_hbm, dest_hbm, wb_hbm, sh_hbm, out_hbm,
          idx_v, w_v, rows_v, sh_v, acc_v, sem):
        wid = lax.axis_index("s") * info.num_cores + lax.axis_index("c")
        tb = wid * t_per_w
        pltpu.sync_copy(dest_hbm.at[pl.ds(tb, t_per_w)], idx_v.at[pl.ds(0, t_per_w)])
        pltpu.sync_copy(dest_hbm.at[pl.ds(T + tb, t_per_w)],
                        idx_v.at[pl.ds(t_per_w, t_per_w)])
        pltpu.sync_copy(wb_hbm.at[pl.ds(tb, t_per_w)], w_v.at[pl.ds(0, t_per_w)])
        pltpu.sync_copy(wb_hbm.at[pl.ds(T + tb, t_per_w)],
                        w_v.at[pl.ds(t_per_w, t_per_w)])
        pltpu.sync_copy(sh_hbm.at[pl.ds(tb, t_per_w)], sh_v)
        pltpu.async_copy(os_hbm.at[idx_v], rows_v, sem).wait()

        for t in range(t_per_w):
            w0 = w_v[t, :]
            w1l = w_v[t_per_w + t, :]

            def body(c, carry, t=t, w0=w0, w1l=w1l):
                sl = pl.ds(c * 16, 16)
                acc_v[t, sl] = (rows_v[t, sl] * w0
                                + rows_v[t_per_w + t, sl] * w1l
                                + sh_v[t, sl])
                return carry

            lax.fori_loop(0, DIM // 16, body, 0)
        pltpu.sync_copy(acc_v, out_hbm.at[pl.ds(tb, t_per_w)])

    return k(out_sorted, dest, wb, shared)


def kernel(x, gate_weight, adaptive_bias, w1, w2, w3, sw1, sw2, sw3):
    b, s, d = x.shape
    x_flat = x.reshape(-1, d)
    bias_row = adaptive_bias.reshape(1, N_EXPERTS)
    x_sorted, dest, wb, offs, pcnt, shared = _route(
        x_flat, gate_weight, bias_row, sw1, sw2, sw3)
    out_sorted = _experts(offs.reshape(N_EXPERTS), pcnt.reshape(N_EXPERTS),
                          x_sorted, w1, w3, w2)
    out = _sc_combine(out_sorted, dest.reshape(A), wb, shared)
    return out.reshape(b, s, d)

# --- scband reference (transcript-rebuilt; emitter-appended) ---
"""Pipeline reference for scband-mo-e-66099546685736 (READ-ONLY COPY).

The authoritative reference and input builder live on the scoring server;
editing this copy changes nothing except your own understanding.
"""

import jax, jax.numpy as jnp
import numpy as np

DIM = 1024
N_EXPERTS = 64
TOP_K = 2
INTER = 256
SINTER = 256
B = 32
S = 8


def setup_inputs(seed: int = 0) -> dict:
    key = jax.random.key(seed)
    ks = jax.random.split(key, 9)
    x = jax.random.normal(ks[0], (B, S, DIM), dtype=jnp.float32)
    gate_weight = jax.random.normal(ks[1], (N_EXPERTS, DIM), dtype=jnp.float32) * 0.02
    adaptive_bias = jnp.zeros((N_EXPERTS,), dtype=jnp.float32)
    bd = 1.0 / np.sqrt(DIM)
    bi = 1.0 / np.sqrt(INTER)
    w1 = jax.random.uniform(ks[2], (N_EXPERTS, INTER, DIM), minval=-bd, maxval=bd, dtype=jnp.float32)
    w2 = jax.random.uniform(ks[3], (N_EXPERTS, DIM, INTER), minval=-bi, maxval=bi, dtype=jnp.float32)
    w3 = jax.random.uniform(ks[4], (N_EXPERTS, INTER, DIM), minval=-bd, maxval=bd, dtype=jnp.float32)
    bsi = 1.0 / np.sqrt(SINTER)
    sw1 = jax.random.uniform(ks[5], (SINTER, DIM), minval=-bd, maxval=bd, dtype=jnp.float32)
    sw2 = jax.random.uniform(ks[6], (DIM, SINTER), minval=-bsi, maxval=bsi, dtype=jnp.float32)
    sw3 = jax.random.uniform(ks[7], (SINTER, DIM), minval=-bd, maxval=bd, dtype=jnp.float32)
    return {"x": x, "gate_weight": gate_weight, "adaptive_bias": adaptive_bias,
            "w1": w1, "w2": w2, "w3": w3, "sw1": sw1, "sw2": sw2, "sw3": sw3}


def reference(x, gate_weight, adaptive_bias, w1, w2, w3, sw1, sw2, sw3):
    b, s, d = x.shape
    x_flat = x.reshape(-1, d)
    # ---- gate (MoEGate.forward, eval mode: no bias update) ----
    scores = x_flat @ gate_weight.T + adaptive_bias[None, :]
    probs = jax.nn.softmax(scores, axis=-1)
    top_w, top_i = jax.lax.top_k(probs, TOP_K)
    top_w = top_w / (jnp.sum(top_w, axis=-1, keepdims=True) + 1e-8)
    # ---- routed experts: combine-weight matrix [T, E] then per-expert SwiGLU ----
    onehot = jax.nn.one_hot(top_i, N_EXPERTS, dtype=x_flat.dtype)  # [T, K, E]
    cw = jnp.einsum('tk,tke->te', top_w, onehot)                   # [T, E]
    h1 = jnp.einsum('td,efd->tef', x_flat, w1)                     # [T, E, INTER]
    h3 = jnp.einsum('td,efd->tef', x_flat, w3)
    h = jax.nn.silu(h1) * h3
    eo = jnp.einsum('tef,edf->ted', h, w2)                         # [T, E, D]
    routed = jnp.einsum('te,ted->td', cw, eo)                      # [T, D]
    # ---- shared expert (always active) ----
    shared = (jax.nn.silu(x_flat @ sw1.T) * (x_flat @ sw3.T)) @ sw2.T
    out = routed + shared
    return out.reshape(b, s, d)

if __name__ == "__main__":
    import jax
    _d = setup_inputs()
    print(jax.jit(kernel)(*tuple(_d.values())))

</pallas_src>

<mosaic_0001>
#map = affine_map<(d0, d1) -> (0, 0)>
#map1 = affine_map<(d0, d1) -> (0)>
module attributes {stable_mosaic.version = 14 : i64} {
  func.func @k(%arg0: i32, %arg1: i32, %arg2: memref<1024x1024xf32, #tpu.memory_space<hbm>>, %arg3: memref<512xi32, #tpu.memory_space<hbm>>, %arg4: memref<512x16xf32, #tpu.memory_space<hbm>>, %arg5: memref<256x1024xf32, #tpu.memory_space<hbm>>, %arg6: memref<256x1024xf32, #tpu.memory_space<hbm>>, %arg7: memref<16xi32, #tpu.memory_space<vmem>>, %arg8: memref<16x16xf32, #tpu.memory_space<vmem>>, %arg9: memref<16x1024xf32, #tpu.memory_space<vmem>>, %arg10: memref<8x1024xf32, #tpu.memory_space<vmem>>, %arg11: memref<8x1024xf32, #tpu.memory_space<vmem>>, %arg12: memref<!tpu.dma_semaphore, #tpu.memory_space<semaphore_mem>>) attributes {dimension_semantics = [#tpu.dimension_semantics<core_parallel>, #tpu.dimension_semantics<subcore_parallel>], iteration_bounds = array<i64: 2, 16>, scalar_prefetch = 0 : i64, scratch_operands = 6 : i64, tpu.core_type = #tpu.core_type<sc_vector_subcore>, window_params = [{transform_indices = #map}, {transform_indices = #map1}, {transform_indices = #map}, {transform_indices = #map}, {transform_indices = #map}]} {
    %mul3A = arith.constant 2 : i32
    %mul3A_0 = arith.muli %arg1, %mul3A : i32
    %add3A = arith.addi %mul3A_0, %arg0 : i32
    %mul3A_1 = arith.constant 8 : i32
    %mul3A_2 = arith.muli %add3A, %mul3A_1 : i32
    "tpu.region"() ({
      %run_scoped3A = tpu.sem_alloc : memref<!tpu.dma_semaphore, #tpu.memory_space<semaphore_mem>>
      %dma_start3A_137 = arith.constant 0 : i32
      %dma_start3A_138 = tpu.memref_slice %arg7[%dma_start3A_137] : memref<16xi32, #tpu.memory_space<vmem>> -> memref<8xi32, #tpu.memory_space<vmem>>
      %dma_start3A_139 = tpu.memref_slice %arg3[%mul3A_2] : memref<512xi32, #tpu.memory_space<hbm>> -> memref<8xi32, #tpu.memory_space<hbm>>
      %dma_start3A_140 = arith.constant 0 : i32
      %dma_start3A_141 = tpu.memref_slice %arg7[%dma_start3A_140] : memref<16xi32, #tpu.memory_space<vmem>> -> memref<8xi32, #tpu.memory_space<vmem>>
      %dma_start3A_142 = tpu.memref_slice %arg3[%mul3A_2] : memref<512xi32, #tpu.memory_space<hbm>> -> memref<8xi32, #tpu.memory_space<hbm>>
      tpu.enqueue_dma source(%dma_start3A_142 : memref<8xi32, #tpu.memory_space<hbm>>) target(%dma_start3A_141 : memref<8xi32, #tpu.memory_space<vmem>>) target_semaphore(%run_scoped3A : memref<!tpu.dma_semaphore, #tpu.memory_space<semaphore_mem>>)
      %dma_wait3A_143 = arith.constant 0 : i32
      %dma_wait3A_144 = tpu.memref_slice %arg7[%dma_wait3A_143] : memref<16xi32, #tpu.memory_space<vmem>> -> memref<8xi32, #tpu.memory_space<vmem>>
      %dma_wait3A_145 = tpu.memref_slice %arg3[%mul3A_2] : memref<512xi32, #tpu.memory_space<hbm>> -> memref<8xi32, #tpu.memory_space<hbm>>
      %dma_wait3A_146 = arith.constant 0 : i32
      %dma_wait3A_147 = tpu.memref_slice %arg7[%dma_wait3A_146] : memref<16xi32, #tpu.memory_space<vmem>> -> memref<8xi32, #tpu.memory_space<vmem>>
      %dma_wait3A_148 = tpu.memref_slice %arg3[%mul3A_2] : memref<512xi32, #tpu.memory_space<hbm>> -> memref<8xi32, #tpu.memory_space<hbm>>
      tpu.wait_dma2 semaphore(%run_scoped3A : memref<!tpu.dma_semaphore, #tpu.memory_space<semaphore_mem>>) src(%dma_wait3A_148 : memref<8xi32, #tpu.memory_space<hbm>>) dst(%dma_wait3A_147 : memref<8xi32, #tpu.memory_space<vmem>>)
      tpu.yield
    }) : () -> ()
    %add3A_3 = arith.constant 256 : i32
    %add3A_4 = arith.addi %add3A_3, %mul3A_2 : i32
    "tpu.region"() ({
      %run_scoped3A = tpu.sem_alloc : memref<!tpu.dma_semaphore, #tpu.memory_space<semaphore_mem>>
      %dma_start3A_137 = arith.constant 8 : i32
      %dma_start3A_138 = tpu.memref_slice %arg7[%dma_start3A_137] : memref<16xi32, #tpu.memory_space<vmem>> -> memref<8xi32, #tpu.memory_space<vmem>>
      %dma_start3A_139 = tpu.memref_slice %arg3[%add3A_4] : memref<512xi32, #tpu.memory_space<hbm>> -> memref<8xi32, #tpu.memory_space<hbm>>
      %dma_start3A_140 = arith.constant 8 : i32
      %dma_start3A_141 = tpu.memref_slice %arg7[%dma_start3A_140] : memref<16xi32, #tpu.memory_space<vmem>> -> memref<8xi32, #tpu.memory_space<vmem>>
      %dma_start3A_142 = tpu.memref_slice %arg3[%add3A_4] : memref<512xi32, #tpu.memory_space<hbm>> -> memref<8xi32, #tpu.memory_space<hbm>>
      tpu.enqueue_dma source(%dma_start3A_142 : memref<8xi32, #tpu.memory_space<hbm>>) target(%dma_start3A_141 : memref<8xi32, #tpu.memory_space<vmem>>) target_semaphore(%run_scoped3A : memref<!tpu.dma_semaphore, #tpu.memory_space<semaphore_mem>>)
      %dma_wait3A_143 = arith.constant 8 : i32
      %dma_wait3A_144 = tpu.memref_slice %arg7[%dma_wait3A_143] : memref<16xi32, #tpu.memory_space<vmem>> -> memref<8xi32, #tpu.memory_space<vmem>>
      %dma_wait3A_145 = tpu.memref_slice %arg3[%add3A_4] : memref<512xi32, #tpu.memory_space<hbm>> -> memref<8xi32, #tpu.memory_space<hbm>>
      %dma_wait3A_146 = arith.constant 8 : i32
      %dma_wait3A_147 = tpu.memref_slice %arg7[%dma_wait3A_146] : memref<16xi32, #tpu.memory_space<vmem>> -> memref<8xi32, #tpu.memory_space<vmem>>
      %dma_wait3A_148 = tpu.memref_slice %arg3[%add3A_4] : memref<512xi32, #tpu.memory_space<hbm>> -> memref<8xi32, #tpu.memory_space<hbm>>
      tpu.wait_dma2 semaphore(%run_scoped3A : memref<!tpu.dma_semaphore, #tpu.memory_space<semaphore_mem>>) src(%dma_wait3A_148 : memref<8xi32, #tpu.memory_space<hbm>>) dst(%dma_wait3A_147 : memref<8xi32, #tpu.memory_space<vmem>>)
      tpu.yield
    }) : () -> ()
    "tpu.region"() ({
      %run_scoped3A = tpu.sem_alloc : memref<!tpu.dma_semaphore, #tpu.memory_space<semaphore_mem>>
      %dma_start3A_137 = arith.constant 0 : i32
      %dma_start3A_138 = arith.constant 0 : i32
      %dma_start3A_139 = tpu.memref_slice %arg8[%dma_start3A_137, %dma_start3A_138] : memref<16x16xf32, #tpu.memory_space<vmem>> -> memref<8x16xf32, #tpu.memory_space<vmem>>
      %dma_start3A_140 = arith.constant 0 : i32
      %dma_start3A_141 = tpu.memref_slice %arg4[%mul3A_2, %dma_start3A_140] : memref<512x16xf32, #tpu.memory_space<hbm>> -> memref<8x16xf32, #tpu.memory_space<hbm>>
      %dma_start3A_142 = arith.constant 0 : i32
      %dma_start3A_143 = arith.constant 0 : i32
      %dma_start3A_144 = tpu.memref_slice %arg8[%dma_start3A_142, %dma_start3A_143] : memref<16x16xf32, #tpu.memory_space<vmem>> -> memref<8x16xf32, #tpu.memory_space<vmem>>
      %dma_start3A_145 = arith.constant 0 : i32
      %dma_start3A_146 = tpu.memref_slice %arg4[%mul3A_2, %dma_start3A_145] : memref<512x16xf32, #tpu.memory_space<hbm>> -> memref<8x16xf32, #tpu.memory_space<hbm>>
      tpu.enqueue_dma source(%dma_start3A_146 : memref<8x16xf32, #tpu.memory_space<hbm>>) target(%dma_start3A_144 : memref<8x16xf32, #tpu.memory_space<vmem>>) target_semaphore(%run_scoped3A : memref<!tpu.dma_semaphore, #tpu.memory_space<semaphore_mem>>)
      %dma_wait3A_147 = arith.constant 0 : i32
      %dma_wait3A_148 = arith.constant 0 : i32
      %dma_wait3A_149 = tpu.memref_slice %arg8[%dma_wait3A_147, %dma_wait3A_148] : memref<16x16xf32, #tpu.memory_space<vmem>> -> memref<8x16xf32, #tpu.memory_space<vmem>>
      %dma_wait3A_150 = arith.constant 0 : i32
      %dma_wait3A_151 = tpu.memref_slice %arg4[%mul3A_2, %dma_wait3A_150] : memref<512x16xf32, #tpu.memory_space<hbm>> -> memref<8x16xf32, #tpu.memory_space<hbm>>
      %dma_wait3A_152 = arith.constant 0 : i32
      %dma_wait3A_153 = arith.constant 0 : i32
      %dma_wait3A_154 = tpu.memref_slice %arg8[%dma_wait3A_152, %dma_wait3A_153] : memref<16x16xf32, #tpu.memory_space<vmem>> -> memref<8x16xf32, #tpu.memory_space<vmem>>
      %dma_wait3A_155 = arith.constant 0 : i32
      %dma_wait3A_156 = tpu.memref_slice %arg4[%mul3A_2, %dma_wait3A_155] : memref<512x16xf32, #tpu.memory_space<hbm>> -> memref<8x16xf32, #tpu.memory_space<hbm>>
      tpu.wait_dma2 semaphore(%run_scoped3A : memref<!tpu.dma_semaphore, #tpu.memory_space<semaphore_mem>>) src(%dma_wait3A_156 : memref<8x16xf32, #tpu.memory_space<hbm>>) dst(%dma_wait3A_154 : memref<8x16xf32, #tpu.memory_space<vmem>>)
      tpu.yield
    }) : () -> ()
    %add3A_5 = arith.constant 256 : i32
    %add3A_6 = arith.addi %add3A_5, %mul3A_2 : i32
    "tpu.region"() ({
      %run_scoped3A = tpu.sem_alloc : memref<!tpu.dma_semaphore, #tpu.memory_space<semaphore_mem>>
      %dma_start3A_137 = arith.constant 8 : i32
      %dma_start3A_138 = arith.constant 0 : i32
      %dma_start3A_139 = tpu.memref_slice %arg8[%dma_start3A_137, %dma_start3A_138] : memref<16x16xf32, #tpu.memory_space<vmem>> -> memref<8x16xf32, #tpu.memory_space<vmem>>
      %dma_start3A_140 = arith.constant 0 : i32
      %dma_start3A_141 = tpu.memref_slice %arg4[%add3A_6, %dma_start3A_140] : memref<512x16xf32, #tpu.memory_space<hbm>> -> memref<8x16xf32, #tpu.memory_space<hbm>>
      %dma_start3A_142 = arith.constant 8 : i32
      %dma_start3A_143 = arith.constant 0 : i32
      %dma_start3A_144 = tpu.memref_slice %arg8[%dma_start3A_142, %dma_start3A_143] : memref<16x16xf32, #tpu.memory_space<vmem>> -> memref<8x16xf32, #tpu.memory_space<vmem>>
      %dma_start3A_145 = arith.constant 0 : i32
      %dma_start3A_146 = tpu.memref_slice %arg4[%add3A_6, %dma_start3A_145] : memref<512x16xf32, #tpu.memory_space<hbm>> -> memref<8x16xf32, #tpu.memory_space<hbm>>
      tpu.enqueue_dma source(%dma_start3A_146 : memref<8x16xf32, #tpu.memory_space<hbm>>) target(%dma_start3A_144 : memref<8x16xf32, #tpu.memory_space<vmem>>) target_semaphore(%run_scoped3A : memref<!tpu.dma_semaphore, #tpu.memory_space<semaphore_mem>>)
      %dma_wait3A_147 = arith.constant 8 : i32
      %dma_wait3A_148 = arith.constant 0 : i32
      %dma_wait3A_149 = tpu.memref_slice %arg8[%dma_wait3A_147, %dma_wait3A_148] : memref<16x16xf32, #tpu.memory_space<vmem>> -> memref<8x16xf32, #tpu.memory_space<vmem>>
      %dma_wait3A_150 = arith.constant 0 : i32
      %dma_wait3A_151 = tpu.memref_slice %arg4[%add3A_6, %dma_wait3A_150] : memref<512x16xf32, #tpu.memory_space<hbm>> -> memref<8x16xf32, #tpu.memory_space<hbm>>
      %dma_wait3A_152 = arith.constant 8 : i32
      %dma_wait3A_153 = arith.constant 0 : i32
      %dma_wait3A_154 = tpu.memref_slice %arg8[%dma_wait3A_152, %dma_wait3A_153] : memref<16x16xf32, #tpu.memory_space<vmem>> -> memref<8x16xf32, #tpu.memory_space<vmem>>
      %dma_wait3A_155 = arith.constant 0 : i32
      %dma_wait3A_156 = tpu.memref_slice %arg4[%add3A_6, %dma_wait3A_155] : memref<512x16xf32, #tpu.memory_space<hbm>> -> memref<8x16xf32, #tpu.memory_space<hbm>>
      tpu.wait_dma2 semaphore(%run_scoped3A : memref<!tpu.dma_semaphore, #tpu.memory_space<semaphore_mem>>) src(%dma_wait3A_156 : memref<8x16xf32, #tpu.memory_space<hbm>>) dst(%dma_wait3A_154 : memref<8x16xf32, #tpu.memory_space<vmem>>)
      tpu.yield
    }) : () -> ()
    "tpu.region"() ({
      %run_scoped3A = tpu.sem_alloc : memref<!tpu.dma_semaphore, #tpu.memory_space<semaphore_mem>>
      %dma_start3A_137 = arith.constant 0 : i32
      %dma_start3A_138 = tpu.memref_slice %arg5[%mul3A_2, %dma_start3A_137] : memref<256x1024xf32, #tpu.memory_space<hbm>> -> memref<8x1024xf32, #tpu.memory_space<hbm>>
      %dma_start3A_139 = arith.constant 0 : i32
      %dma_start3A_140 = tpu.memref_slice %arg5[%mul3A_2, %dma_start3A_139] : memref<256x1024xf32, #tpu.memory_space<hbm>> -> memref<8x1024xf32, #tpu.memory_space<hbm>>
      tpu.enqueue_dma source(%dma_start3A_140 : memref<8x1024xf32, #tpu.memory_space<hbm>>) target(%arg10 : memref<8x1024xf32, #tpu.memory_space<vmem>>) target_semaphore(%run_scoped3A : memref<!tpu.dma_semaphore, #tpu.memory_space<semaphore_mem>>)
      %dma_wait3A_141 = arith.constant 0 : i32
      %dma_wait3A_142 = tpu.memref_slice %arg5[%mul3A_2, %dma_wait3A_141] : memref<256x1024xf32, #tpu.memory_space<hbm>> -> memref<8x1024xf32, #tpu.memory_space<hbm>>
      %dma_wait3A_143 = arith.constant 0 : i32
      %dma_wait3A_144 = tpu.memref_slice %arg5[%mul3A_2, %dma_wait3A_143] : memref<256x1024xf32, #tpu.memory_space<hbm>> -> memref<8x1024xf32, #tpu.memory_space<hbm>>
      tpu.wait_dma2 semaphore(%run_scoped3A : memref<!tpu.dma_semaphore, #tpu.memory_space<semaphore_mem>>) src(%dma_wait3A_144 : memref<8x1024xf32, #tpu.memory_space<hbm>>) dst(%arg10 : memref<8x1024xf32, #tpu.memory_space<vmem>>)
      tpu.yield
    }) : () -> ()
    %dma_start3A = arith.constant 0 : i32
    %dma_start3A_7 = arith.constant 0 : i32
    %dma_start3A_8 = tpu.memref_slice %arg2[%dma_start3A, %dma_start3A_7] : memref<1024x1024xf32, #tpu.memory_space<hbm>> -> memref<1024x1024xf32, #tpu.memory_space<hbm>>
    tpu.enqueue_indirect_dma source(%dma_start3A_8 : memref<1024x1024xf32, #tpu.memory_space<hbm>>) target(%arg9 : memref<16x1024xf32, #tpu.memory_space<vmem>>) offsets(%arg7 : memref<16xi32, #tpu.memory_space<vmem>>) semaphore(%arg12 : memref<!tpu.dma_semaphore, #tpu.memory_space<semaphore_mem>>)
    %dma_wait3A = arith.constant 0 : i32
    %dma_wait3A_9 = arith.constant 0 : i32
    %dma_wait3A_10 = tpu.memref_slice %arg2[%dma_wait3A, %dma_wait3A_9] : memref<1024x1024xf32, #tpu.memory_space<hbm>> -> memref<1024x1024xf32, #tpu.memory_space<hbm>>
    tpu.wait_indirect_dma semaphore(%arg12 : memref<!tpu.dma_semaphore, #tpu.memory_space<semaphore_mem>>) src(%dma_wait3A_10 : memref<1024x1024xf32, #tpu.memory_space<hbm>>) dst(%arg9 : memref<16x1024xf32, #tpu.memory_space<vmem>>)
    %get3A = arith.constant 0 : i32
    %get3A_11 = arith.index_cast %get3A : i32 to index
    %get3A_12 = arith.constant 0 : index
    %get3A_13 = tpu.vector_load %arg8[%get3A_11, %get3A_12] {strides = array<i32>} : memref<16x16xf32, #tpu.memory_space<vmem>>, vector<1x16xf32>,
    %get3A_14 = vector.shape_cast %get3A_13 : vector<1x16xf32> to vector<16xf32>
    %get3A_15 = arith.constant 8 : i32
    %get3A_16 = arith.index_cast %get3A_15 : i32 to index
    %get3A_17 = arith.constant 0 : index
    %get3A_18 = tpu.vector_load %arg8[%get3A_16, %get3A_17] {strides = array<i32>} : memref<16x16xf32, #tpu.memory_space<vmem>>, vector<1x16xf32>,
    %get3A_19 = vector.shape_cast %get3A_18 : vector<1x16xf32> to vector<16xf32>
    %scan3A = arith.constant 0 : i32
    %scan3A_20 = arith.constant 0 : i32
    %scan3A_21 = arith.constant 64 : i32
    %scan3A_22 = arith.addi %scan3A_20, %scan3A_21 : i32
    %scan3A_23 = arith.constant 1 : i32
    scf.for %scan3A_137 = %scan3A_20 to %scan3A_22 step %scan3A_23  : i32 {
      %mul3A_138 = arith.constant 16 : i32
      %mul3A_139 = arith.muli %scan3A_137, %mul3A_138 : i32
      %get3A_140 = arith.constant 0 : i32
      %get3A_141 = arith.index_cast %get3A_140 : i32 to index
      %get3A_142 = arith.index_cast %mul3A_139 : i32 to index
      %get3A_143 = tpu.vector_load %arg9[%get3A_141, %get3A_142] {strides = array<i32>} : memref<16x1024xf32, #tpu.memory_space<vmem>>, vector<1x16xf32>,
      %get3A_144 = vector.shape_cast %get3A_143 : vector<1x16xf32> to vector<16xf32>
      %mul3A_145 = arith.mulf %get3A_144, %get3A_14 : vector<16xf32>
      %get3A_146 = arith.constant 8 : i32
      %get3A_147 = arith.index_cast %get3A_146 : i32 to index
      %get3A_148 = arith.index_cast %mul3A_139 : i32 to index
      %get3A_149 = tpu.vector_load %arg9[%get3A_147, %get3A_148] {strides = array<i32>} : memref<16x1024xf32, #tpu.memory_space<vmem>>, vector<1x16xf32>,
      %get3A_150 = vector.shape_cast %get3A_149 : vector<1x16xf32> to vector<16xf32>
      %mul3A_151 = arith.mulf %get3A_150, %get3A_19 : vector<16xf32>
      %add3A_152 = arith.addf %mul3A_145, %mul3A_151 : vector<16xf32>
      %get3A_153 = arith.constant 0 : i32
      %get3A_154 = arith.index_cast %get3A_153 : i32 to index
      %get3A_155 = arith.index_cast %mul3A_139 : i32 to index
      %get3A_156 = tpu.vector_load %arg10[%get3A_154, %get3A_155] {strides = array<i32>} : memref<8x1024xf32, #tpu.memory_space<vmem>>, vector<1x16xf32>,
      %get3A_157 = vector.shape_cast %get3A_156 : vector<1x16xf32> to vector<16xf32>
      %add3A_158 = arith.addf %add3A_152, %get3A_157 : vector<16xf32>
      %swap3A = arith.constant 0 : i32
      %swap3A_159 = arith.index_cast %swap3A : i32 to index
      %swap3A_160 = arith.index_cast %mul3A_139 : i32 to index
      %swap3A_161 = tpu.vector_load %arg11[%swap3A_159, %swap3A_160] {strides = array<i32>} : memref<8x1024xf32, #tpu.memory_space<vmem>>, vector<1x16xf32>,
      %swap3A_162 = vector.shape_cast %swap3A_161 : vector<1x16xf32> to vector<16xf32>
      %swap3A_163 = vector.shape_cast %add3A_158 : vector<16xf32> to vector<1x16xf32>
      tpu.vector_store %arg11[%swap3A_159, %swap3A_160], %swap3A_163 {strides = array<i32>} : memref<8x1024xf32, #tpu.memory_space<vmem>>, vector<1x16xf32>,
    }
    %scan3A_24 = arith.constant 64 : i32
    %get3A_25 = arith.constant 1 : i32
    %get3A_26 = arith.index_cast %get3A_25 : i32 to index
    %get3A_27 = arith.constant 0 : index
    %get3A_28 = tpu.vector_load %arg8[%get3A_26, %get3A_27] {strides = array<i32>} : memref<16x16xf32, #tpu.memory_space<vmem>>, vector<1x16xf32>,
    %get3A_29 = vector.shape_cast %get3A_28 : vector<1x16xf32> to vector<16xf32>
    %get3A_30 = arith.constant 9 : i32
    %get3A_31 = arith.index_cast %get3A_30 : i32 to index
    %get3A_32 = arith.constant 0 : index
    %get3A_33 = tpu.vector_load %arg8[%get3A_31, %get3A_32] {strides = array<i32>} : memref<16x16xf32, #tpu.memory_space<vmem>>, vector<1x16xf32>,
    %get3A_34 = vector.shape_cast %get3A_33 : vector<1x16xf32> to vector<16xf32>
    %scan3A_35 = arith.constant 0 : i32
    %scan3A_36 = arith.constant 0 : i32
    %scan3A_37 = arith.constant 64 : i32
    %scan3A_38 = arith.addi %scan3A_36, %scan3A_37 : i32
    %scan3A_39 = arith.constant 1 : i32
    scf.for %scan3A_137 = %scan3A_36 to %scan3A_38 step %scan3A_39  : i32 {
      %mul3A_138 = arith.constant 16 : i32
      %mul3A_139 = arith.muli %scan3A_137, %mul3A_138 : i32
      %get3A_140 = arith.constant 1 : i32
      %get3A_141 = arith.index_cast %get3A_140 : i32 to index
      %get3A_142 = arith.index_cast %mul3A_139 : i32 to index
      %get3A_143 = tpu.vector_load %arg9[%get3A_141, %get3A_142] {strides = array<i32>} : memref<16x1024xf32, #tpu.memory_space<vmem>>, vector<1x16xf32>,
      %get3A_144 = vector.shape_cast %get3A_143 : vector<1x16xf32> to vector<16xf32>
      %mul3A_145 = arith.mulf %get3A_144, %get3A_29 : vector<16xf32>
      %get3A_146 = arith.constant 9 : i32
      %get3A_147 = arith.index_cast %get3A_146 : i32 to index
      %get3A_148 = arith.index_cast %mul3A_139 : i32 to index
      %get3A_149 = tpu.vector_load %arg9[%get3A_147, %get3A_148] {strides = array<i32>} : memref<16x1024xf32, #tpu.memory_space<vmem>>, vector<1x16xf32>,
      %get3A_150 = vector.shape_cast %get3A_149 : vector<1x16xf32> to vector<16xf32>
      %mul3A_151 = arith.mulf %get3A_150, %get3A_34 : vector<16xf32>
      %add3A_152 = arith.addf %mul3A_145, %mul3A_151 : vector<16xf32>
      %get3A_153 = arith.constant 1 : i32
      %get3A_154 = arith.index_cast %get3A_153 : i32 to index
      %get3A_155 = arith.index_cast %mul3A_139 : i32 to index
      %get3A_156 = tpu.vector_load %arg10[%get3A_154, %get3A_155] {strides = array<i32>} : memref<8x1024xf32, #tpu.memory_space<vmem>>, vector<1x16xf32>,
      %get3A_157 = vector.shape_cast %get3A_156 : vector<1x16xf32> to vector<16xf32>
      %add3A_158 = arith.addf %add3A_152, %get3A_157 : vector<16xf32>
      %swap3A = arith.constant 1 : i32
      %swap3A_159 = arith.index_cast %swap3A : i32 to index
      %swap3A_160 = arith.index_cast %mul3A_139 : i32 to index
      %swap3A_161 = tpu.vector_load %arg11[%swap3A_159, %swap3A_160] {strides = array<i32>} : memref<8x1024xf32, #tpu.memory_space<vmem>>, vector<1x16xf32>,
      %swap3A_162 = vector.shape_cast %swap3A_161 : vector<1x16xf32> to vector<16xf32>
      %swap3A_163 = vector.shape_cast %add3A_158 : vector<16xf32> to vector<1x16xf32>
      tpu.vector_store %arg11[%swap3A_159, %swap3A_160], %swap3A_163 {strides = array<i32>} : memref<8x1024xf32, #tpu.memory_space<vmem>>, vector<1x16xf32>,
    }
    %scan3A_40 = arith.constant 64 : i32
    %get3A_41 = arith.constant 2 : i32
    %get3A_42 = arith.index_cast %get3A_41 : i32 to index
    %get3A_43 = arith.constant 0 : index
    %get3A_44 = tpu.vector_load %arg8[%get3A_42, %get3A_43] {strides = array<i32>} : memref<16x16xf32, #tpu.memory_space<vmem>>, vector<1x16xf32>,
    %get3A_45 = vector.shape_cast %get3A_44 : vector<1x16xf32> to vector<16xf32>
    %get3A_46 = arith.constant 10 : i32
    %get3A_47 = arith.index_cast %get3A_46 : i32 to index
    %get3A_48 = arith.constant 0 : index
    %get3A_49 = tpu.vector_load %arg8[%get3A_47, %get3A_48] {strides = array<i32>} : memref<16x16xf32, #tpu.memory_space<vmem>>, vector<1x16xf32>,
    %get3A_50 = vector.shape_cast %get3A_49 : vector<1x16xf32> to vector<16xf32>
    %scan3A_51 = arith.constant 0 : i32
    %scan3A_52 = arith.constant 0 : i32
    %scan3A_53 = arith.constant 64 : i32
    %scan3A_54 = arith.addi %scan3A_52, %scan3A_53 : i32
    %scan3A_55 = arith.constant 1 : i32
    scf.for %scan3A_137 = %scan3A_52 to %scan3A_54 step %scan3A_55  : i32 {
      %mul3A_138 = arith.constant 16 : i32
      %mul3A_139 = arith.muli %scan3A_137, %mul3A_138 : i32
      %get3A_140 = arith.constant 2 : i32
      %get3A_141 = arith.index_cast %get3A_140 : i32 to index
      %get3A_142 = arith.index_cast %mul3A_139 : i32 to index
      %get3A_143 = tpu.vector_load %arg9[%get3A_141, %get3A_142] {strides = array<i32>} : memref<16x1024xf32, #tpu.memory_space<vmem>>, vector<1x16xf32>,
      %get3A_144 = vector.shape_cast %get3A_143 : vector<1x16xf32> to vector<16xf32>
      %mul3A_145 = arith.mulf %get3A_144, %get3A_45 : vector<16xf32>
      %get3A_146 = arith.constant 10 : i32
      %get3A_147 = arith.index_cast %get3A_146 : i32 to index
      %get3A_148 = arith.index_cast %mul3A_139 : i32 to index
      %get3A_149 = tpu.vector_load %arg9[%get3A_147, %get3A_148] {strides = array<i32>} : memref<16x1024xf32, #tpu.memory_space<vmem>>, vector<1x16xf32>,
      %get3A_150 = vector.shape_cast %get3A_149 : vector<1x16xf32> to vector<16xf32>
      %mul3A_151 = arith.mulf %get3A_150, %get3A_50 : vector<16xf32>
      %add3A_152 = arith.addf %mul3A_145, %mul3A_151 : vector<16xf32>
      %get3A_153 = arith.constant 2 : i32
      %get3A_154 = arith.index_cast %get3A_153 : i32 to index
      %get3A_155 = arith.index_cast %mul3A_139 : i32 to index
      %get3A_156 = tpu.vector_load %arg10[%get3A_154, %get3A_155] {strides = array<i32>} : memref<8x1024xf32, #tpu.memory_space<vmem>>, vector<1x16xf32>,
      %get3A_157 = vector.shape_cast %get3A_156 : vector<1x16xf32> to vector<16xf32>
      %add3A_158 = arith.addf %add3A_152, %get3A_157 : vector<16xf32>
      %swap3A = arith.constant 2 : i32
      %swap3A_159 = arith.index_cast %swap3A : i32 to index
      %swap3A_160 = arith.index_cast %mul3A_139 : i32 to index
      %swap3A_161 = tpu.vector_load %arg11[%swap3A_159, %swap3A_160] {strides = array<i32>} : memref<8x1024xf32, #tpu.memory_space<vmem>>, vector<1x16xf32>,
      %swap3A_162 = vector.shape_cast %swap3A_161 : vector<1x16xf32> to vector<16xf32>
      %swap3A_163 = vector.shape_cast %add3A_158 : vector<16xf32> to vector<1x16xf32>
      tpu.vector_store %arg11[%swap3A_159, %swap3A_160], %swap3A_163 {strides = array<i32>} : memref<8x1024xf32, #tpu.memory_space<vmem>>, vector<1x16xf32>,
    }
    %scan3A_56 = arith.constant 64 : i32
    %get3A_57 = arith.constant 3 : i32
    %get3A_58 = arith.index_cast %get3A_57 : i32 to index
    %get3A_59 = arith.constant 0 : index
    %get3A_60 = tpu.vector_load %arg8[%get3A_58, %get3A_59] {strides = array<i32>} : memref<16x16xf32, #tpu.memory_space<vmem>>, vector<1x16xf32>,
    %get3A_61 = vector.shape_cast %get3A_60 : vector<1x16xf32> to vector<16xf32>
    %get3A_62 = arith.constant 11 : i32
    %get3A_63 = arith.index_cast %get3A_62 : i32 to index
    %get3A_64 = arith.constant 0 : index
    %get3A_65 = tpu.vector_load %arg8[%get3A_63, %get3A_64] {strides = array<i32>} : memref<16x16xf32, #tpu.memory_space<vmem>>, vector<1x16xf32>,
    %get3A_66 = vector.shape_cast %get3A_65 : vector<1x16xf32> to vector<16xf32>
    %scan3A_67 = arith.constant 0 : i32
    %scan3A_68 = arith.constant 0 : i32
    %scan3A_69 = arith.constant 64 : i32
    %scan3A_70 = arith.addi %scan3A_68, %scan3A_69 : i32
    %scan3A_71 = arith.constant 1 : i32
    scf.for %scan3A_137 = %scan3A_68 to %scan3A_70 step %scan3A_71  : i32 {
      %mul3A_138 = arith.constant 16 : i32
      %mul3A_139 = arith.muli %scan3A_137, %mul3A_138 : i32
      %get3A_140 = arith.constant 3 : i32
      %get3A_141 = arith.index_cast %get3A_140 : i32 to index
      %get3A_142 = arith.index_cast %mul3A_139 : i32 to index
      %get3A_143 = tpu.vector_load %arg9[%get3A_141, %get3A_142] {strides = array<i32>} : memref<16x1024xf32, #tpu.memory_space<vmem>>, vector<1x16xf32>,
      %get3A_144 = vector.shape_cast %get3A_143 : vector<1x16xf32> to vector<16xf32>
      %mul3A_145 = arith.mulf %get3A_144, %get3A_61 : vector<16xf32>
      %get3A_146 = arith.constant 11 : i32
      %get3A_147 = arith.index_cast %get3A_146 : i32 to index
      %get3A_148 = arith.index_cast %mul3A_139 : i32 to index
      %get3A_149 = tpu.vector_load %arg9[%get3A_147, %get3A_148] {strides = array<i32>} : memref<16x1024xf32, #tpu.memory_space<vmem>>, vector<1x16xf32>,
      %get3A_150 = vector.shape_cast %get3A_149 : vector<1x16xf32> to vector<16xf32>
      %mul3A_151 = arith.mulf %get3A_150, %get3A_66 : vector<16xf32>
      %add3A_152 = arith.addf %mul3A_145, %mul3A_151 : vector<16xf32>
      %get3A_153 = arith.constant 3 : i32
      %get3A_154 = arith.index_cast %get3A_153 : i32 to index
      %get3A_155 = arith.index_cast %mul3A_139 : i32 to index
      %get3A_156 = tpu.vector_load %arg10[%get3A_154, %get3A_155] {strides = array<i32>} : memref<8x1024xf32, #tpu.memory_space<vmem>>, vector<1x16xf32>,
      %get3A_157 = vector.shape_cast %get3A_156 : vector<1x16xf32> to vector<16xf32>
      %add3A_158 = arith.addf %add3A_152, %get3A_157 : vector<16xf32>
      %swap3A = arith.constant 3 : i32
      %swap3A_159 = arith.index_cast %swap3A : i32 to index
      %swap3A_160 = arith.index_cast %mul3A_139 : i32 to index
      %swap3A_161 = tpu.vector_load %arg11[%swap3A_159, %swap3A_160] {strides = array<i32>} : memref<8x1024xf32, #tpu.memory_space<vmem>>, vector<1x16xf32>,
      %swap3A_162 = vector.shape_cast %swap3A_161 : vector<1x16xf32> to vector<16xf32>
      %swap3A_163 = vector.shape_cast %add3A_158 : vector<16xf32> to vector<1x16xf32>
      tpu.vector_store %arg11[%swap3A_159, %swap3A_160], %swap3A_163 {strides = array<i32>} : memref<8x1024xf32, #tpu.memory_space<vmem>>, vector<1x16xf32>,
    }
    %scan3A_72 = arith.constant 64 : i32
    %get3A_73 = arith.constant 4 : i32
    %get3A_74 = arith.index_cast %get3A_73 : i32 to index
    %get3A_75 = arith.constant 0 : index
    %get3A_76 = tpu.vector_load %arg8[%get3A_74, %get3A_75] {strides = array<i32>} : memref<16x16xf32, #tpu.memory_space<vmem>>, vector<1x16xf32>,
    %get3A_77 = vector.shape_cast %get3A_76 : vector<1x16xf32> to vector<16xf32>
    %get3A_78 = arith.constant 12 : i32
    %get3A_79 = arith.index_cast %get3A_78 : i32 to index
    %get3A_80 = arith.constant 0 : index
    %get3A_81 = tpu.vector_load %arg8[%get3A_79, %get3A_80] {strides = array<i32>} : memref<16x16xf32, #tpu.memory_space<vmem>>, vector<1x16xf32>,
    %get3A_82 = vector.shape_cast %get3A_81 : vector<1x16xf32> to vector<16xf32>
    %scan3A_83 = arith.constant 0 : i32
    %scan3A_84 = arith.constant 0 : i32
    %scan3A_85 = arith.constant 64 : i32
    %scan3A_86 = arith.addi %scan3A_84, %scan3A_85 : i32
    %scan3A_87 = arith.constant 1 : i32
    scf.for %scan3A_137 = %scan3A_84 to %scan3A_86 step %scan3A_87  : i32 {
      %mul3A_138 = arith.constant 16 : i32
      %mul3A_139 = arith.muli %scan3A_137, %mul3A_138 : i32
      %get3A_140 = arith.constant 4 : i32
      %get3A_141 = arith.index_cast %get3A_140 : i32 to index
      %get3A_142 = arith.index_cast %mul3A_139 : i32 to index
      %get3A_143 = tpu.vector_load %arg9[%get3A_141, %get3A_142] {strides = array<i32>} : memref<16x1024xf32, #tpu.memory_space<vmem>>, vector<1x16xf32>,
      %get3A_144 = vector.shape_cast %get3A_143 : vector<1x16xf32> to vector<16xf32>
      %mul3A_145 = arith.mulf %get3A_144, %get3A_77 : vector<16xf32>
      %get3A_146 = arith.constant 12 : i32
      %get3A_147 = arith.index_cast %get3A_146 : i32 to index
      %get3A_148 = arith.index_cast %mul3A_139 : i32 to index
      %get3A_149 = tpu.vector_load %arg9[%get3A_147, %get3A_148] {strides = array<i32>} : memref<16x1024xf32, #tpu.memory_space<vmem>>, vector<1x16xf32>,
      %get3A_150 = vector.shape_cast %get3A_149 : vector<1x16xf32> to vector<16xf32>
      %mul3A_151 = arith.mulf %get3A_150, %get3A_82 : vector<16xf32>
      %add3A_152 = arith.addf %mul3A_145, %mul3A_151 : vector<16xf32>
      %get3A_153 = arith.constant 4 : i32
      %get3A_154 = arith.index_cast %get3A_153 : i32 to index
      %get3A_155 = arith.index_cast %mul3A_139 : i32 to index
      %get3A_156 = tpu.vector_load %arg10[%get3A_154, %get3A_155] {strides = array<i32>} : memref<8x1024xf32, #tpu.memory_space<vmem>>, vector<1x16xf32>,
      %get3A_157 = vector.shape_cast %get3A_156 : vector<1x16xf32> to vector<16xf32>
      %add3A_158 = arith.addf %add3A_152, %get3A_157 : vector<16xf32>
      %swap3A = arith.constant 4 : i32
      %swap3A_159 = arith.index_cast %swap3A : i32 to index
      %swap3A_160 = arith.index_cast %mul3A_139 : i32 to index
      %swap3A_161 = tpu.vector_load %arg11[%swap3A_159, %swap3A_160] {strides = array<i32>} : memref<8x1024xf32, #tpu.memory_space<vmem>>, vector<1x16xf32>,
      %swap3A_162 = vector.shape_cast %swap3A_161 : vector<1x16xf32> to vector<16xf32>
      %swap3A_163 = vector.shape_cast %add3A_158 : vector<16xf32> to vector<1x16xf32>
      tpu.vector_store %arg11[%swap3A_159, %swap3A_160], %swap3A_163 {strides = array<i32>} : memref<8x1024xf32, #tpu.memory_space<vmem>>, vector<1x16xf32>,
    }
    %scan3A_88 = arith.constant 64 : i32
    %get3A_89 = arith.constant 5 : i32
    %get3A_90 = arith.index_cast %get3A_89 : i32 to index
    %get3A_91 = arith.constant 0 : index
    %get3A_92 = tpu.vector_load %arg8[%get3A_90, %get3A_91] {strides = array<i32>} : memref<16x16xf32, #tpu.memory_space<vmem>>, vector<1x16xf32>,
    %get3A_93 = vector.shape_cast %get3A_92 : vector<1x16xf32> to vector<16xf32>
    %get3A_94 = arith.constant 13 : i32
    %get3A_95 = arith.index_cast %get3A_94 : i32 to index
    %get3A_96 = arith.constant 0 : index
    %get3A_97 = tpu.vector_load %arg8[%get3A_95, %get3A_96] {strides = array<i32>} : memref<16x16xf32, #tpu.memory_space<vmem>>, vector<1x16xf32>,
    %get3A_98 = vector.shape_cast %get3A_97 : vector<1x16xf32> to vector<16xf32>
    %scan3A_99 = arith.constant 0 : i32
    %scan3A_100 = arith.constant 0 : i32
    %scan3A_101 = arith.constant 64 : i32
    %scan3A_102 = arith.addi %scan3A_100, %scan3A_101 : i32
    %scan3A_103 = arith.constant 1 : i32
    scf.for %scan3A_137 = %scan3A_100 to %scan3A_102 step %scan3A_103  : i32 {
      %mul3A_138 = arith.constant 16 : i32
      %mul3A_139 = arith.muli %scan3A_137, %mul3A_138 : i32
      %get3A_140 = arith.constant 5 : i32
      %get3A_141 = arith.index_cast %get3A_140 : i32 to index
      %get3A_142 = arith.index_cast %mul3A_139 : i32 to index
      %get3A_143 = tpu.vector_load %arg9[%get3A_141, %get3A_142] {strides = array<i32>} : memref<16x1024xf32, #tpu.memory_space<vmem>>, vector<1x16xf32>,
      %get3A_144 = vector.shape_cast %get3A_143 : vector<1x16xf32> to vector<16xf32>
      %mul3A_145 = arith.mulf %get3A_144, %get3A_93 : vector<16xf32>
      %get3A_146 = arith.constant 13 : i32
      %get3A_147 = arith.index_cast %get3A_146 : i32 to index
      %get3A_148 = arith.index_cast %mul3A_139 : i32 to index
      %get3A_149 = tpu.vector_load %arg9[%get3A_147, %get3A_148] {strides = array<i32>} : memref<16x1024xf32, #tpu.memory_space<vmem>>, vector<1x16xf32>,
      %get3A_150 = vector.shape_cast %get3A_149 : vector<1x16xf32> to vector<16xf32>
      %mul3A_151 = arith.mulf %get3A_150, %get3A_98 : vector<16xf32>
      %add3A_152 = arith.addf %mul3A_145, %mul3A_151 : vector<16xf32>
      %get3A_153 = arith.constant 5 : i32
      %get3A_154 = arith.index_cast %get3A_153 : i32 to index
      %get3A_155 = arith.index_cast %mul3A_139 : i32 to index
      %get3A_156 = tpu.vector_load %arg10[%get3A_154, %get3A_155] {strides = array<i32>} : memref<8x1024xf32, #tpu.memory_space<vmem>>, vector<1x16xf32>,
      %get3A_157 = vector.shape_cast %get3A_156 : vector<1x16xf32> to vector<16xf32>
      %add3A_158 = arith.addf %add3A_152, %get3A_157 : vector<16xf32>
      %swap3A = arith.constant 5 : i32
      %swap3A_159 = arith.index_cast %swap3A : i32 to index
      %swap3A_160 = arith.index_cast %mul3A_139 : i32 to index
      %swap3A_161 = tpu.vector_load %arg11[%swap3A_159, %swap3A_160] {strides = array<i32>} : memref<8x1024xf32, #tpu.memory_space<vmem>>, vector<1x16xf32>,
      %swap3A_162 = vector.shape_cast %swap3A_161 : vector<1x16xf32> to vector<16xf32>
      %swap3A_163 = vector.shape_cast %add3A_158 : vector<16xf32> to vector<1x16xf32>
      tpu.vector_store %arg11[%swap3A_159, %swap3A_160], %swap3A_163 {strides = array<i32>} : memref<8x1024xf32, #tpu.memory_space<vmem>>, vector<1x16xf32>,
    }
    %scan3A_104 = arith.constant 64 : i32
    %get3A_105 = arith.constant 6 : i32
    %get3A_106 = arith.index_cast %get3A_105 : i32 to index
    %get3A_107 = arith.constant 0 : index
    %get3A_108 = tpu.vector_load %arg8[%get3A_106, %get3A_107] {strides = array<i32>} : memref<16x16xf32, #tpu.memory_space<vmem>>, vector<1x16xf32>,
    %get3A_109 = vector.shape_cast %get3A_108 : vector<1x16xf32> to vector<16xf32>
    %get3A_110 = arith.constant 14 : i32
    %get3A_111 = arith.index_cast %get3A_110 : i32 to index
    %get3A_112 = arith.constant 0 : index
    %get3A_113 = tpu.vector_load %arg8[%get3A_111, %get3A_112] {strides = array<i32>} : memref<16x16xf32, #tpu.memory_space<vmem>>, vector<1x16xf32>,
    %get3A_114 = vector.shape_cast %get3A_113 : vector<1x16xf32> to vector<16xf32>
    %scan3A_115 = arith.constant 0 : i32
    %scan3A_116 = arith.constant 0 : i32
    %scan3A_117 = arith.constant 64 : i32
    %scan3A_118 = arith.addi %scan3A_116, %scan3A_117 : i32
    %scan3A_119 = arith.constant 1 : i32
    scf.for %scan3A_137 = %scan3A_116 to %scan3A_118 step %scan3A_119  : i32 {
      %mul3A_138 = arith.constant 16 : i32
      %mul3A_139 = arith.muli %scan3A_137, %mul3A_138 : i32
      %get3A_140 = arith.constant 6 : i32
      %get3A_141 = arith.index_cast %get3A_140 : i32 to index
      %get3A_142 = arith.index_cast %mul3A_139 : i32 to index
      %get3A_143 = tpu.vector_load %arg9[%get3A_141, %get3A_142] {strides = array<i32>} : memref<16x1024xf32, #tpu.memory_space<vmem>>, vector<1x16xf32>,
      %get3A_144 = vector.shape_cast %get3A_143 : vector<1x16xf32> to vector<16xf32>
      %mul3A_145 = arith.mulf %get3A_144, %get3A_109 : vector<16xf32>
      %get3A_146 = arith.constant 14 : i32
      %get3A_147 = arith.index_cast %get3A_146 : i32 to index
      %get3A_148 = arith.index_cast %mul3A_139 : i32 to index
      %get3A_149 = tpu.vector_load %arg9[%get3A_147, %get3A_148] {strides = array<i32>} : memref<16x1024xf32, #tpu.memory_space<vmem>>, vector<1x16xf32>,
      %get3A_150 = vector.shape_cast %get3A_149 : vector<1x16xf32> to vector<16xf32>
      %mul3A_151 = arith.mulf %get3A_150, %get3A_114 : vector<16xf32>
      %add3A_152 = arith.addf %mul3A_145, %mul3A_151 : vector<16xf32>
      %get3A_153 = arith.constant 6 : i32
      %get3A_154 = arith.index_cast %get3A_153 : i32 to index
      %get3A_155 = arith.index_cast %mul3A_139 : i32 to index
      %get3A_156 = tpu.vector_load %arg10[%get3A_154, %get3A_155] {strides = array<i32>} : memref<8x1024xf32, #tpu.memory_space<vmem>>, vector<1x16xf32>,
      %get3A_157 = vector.shape_cast %get3A_156 : vector<1x16xf32> to vector<16xf32>
      %add3A_158 = arith.addf %add3A_152, %get3A_157 : vector<16xf32>
      %swap3A = arith.constant 6 : i32
      %swap3A_159 = arith.index_cast %swap3A : i32 to index
      %swap3A_160 = arith.index_cast %mul3A_139 : i32 to index
      %swap3A_161 = tpu.vector_load %arg11[%swap3A_159, %swap3A_160] {strides = array<i32>} : memref<8x1024xf32, #tpu.memory_space<vmem>>, vector<1x16xf32>,
      %swap3A_162 = vector.shape_cast %swap3A_161 : vector<1x16xf32> to vector<16xf32>
      %swap3A_163 = vector.shape_cast %add3A_158 : vector<16xf32> to vector<1x16xf32>
      tpu.vector_store %arg11[%swap3A_159, %swap3A_160], %swap3A_163 {strides = array<i32>} : memref<8x1024xf32, #tpu.memory_space<vmem>>, vector<1x16xf32>,
    }
    %scan3A_120 = arith.constant 64 : i32
    %get3A_121 = arith.constant 7 : i32
    %get3A_122 = arith.index_cast %get3A_121 : i32 to index
    %get3A_123 = arith.constant 0 : index
    %get3A_124 = tpu.vector_load %arg8[%get3A_122, %get3A_123] {strides = array<i32>} : memref<16x16xf32, #tpu.memory_space<vmem>>, vector<1x16xf32>,
    %get3A_125 = vector.shape_cast %get3A_124 : vector<1x16xf32> to vector<16xf32>
    %get3A_126 = arith.constant 15 : i32
    %get3A_127 = arith.index_cast %get3A_126 : i32 to index
    %get3A_128 = arith.constant 0 : index
    %get3A_129 = tpu.vector_load %arg8[%get3A_127, %get3A_128] {strides = array<i32>} : memref<16x16xf32, #tpu.memory_space<vmem>>, vector<1x16xf32>,
    %get3A_130 = vector.shape_cast %get3A_129 : vector<1x16xf32> to vector<16xf32>
    %scan3A_131 = arith.constant 0 : i32
    %scan3A_132 = arith.constant 0 : i32
    %scan3A_133 = arith.constant 64 : i32
    %scan3A_134 = arith.addi %scan3A_132, %scan3A_133 : i32
    %scan3A_135 = arith.constant 1 : i32
    scf.for %scan3A_137 = %scan3A_132 to %scan3A_134 step %scan3A_135  : i32 {
      %mul3A_138 = arith.constant 16 : i32
      %mul3A_139 = arith.muli %scan3A_137, %mul3A_138 : i32
      %get3A_140 = arith.constant 7 : i32
      %get3A_141 = arith.index_cast %get3A_140 : i32 to index
      %get3A_142 = arith.index_cast %mul3A_139 : i32 to index
      %get3A_143 = tpu.vector_load %arg9[%get3A_141, %get3A_142] {strides = array<i32>} : memref<16x1024xf32, #tpu.memory_space<vmem>>, vector<1x16xf32>,
      %get3A_144 = vector.shape_cast %get3A_143 : vector<1x16xf32> to vector<16xf32>
      %mul3A_145 = arith.mulf %get3A_144, %get3A_125 : vector<16xf32>
      %get3A_146 = arith.constant 15 : i32
      %get3A_147 = arith.index_cast %get3A_146 : i32 to index
      %get3A_148 = arith.index_cast %mul3A_139 : i32 to index
      %get3A_149 = tpu.vector_load %arg9[%get3A_147, %get3A_148] {strides = array<i32>} : memref<16x1024xf32, #tpu.memory_space<vmem>>, vector<1x16xf32>,
      %get3A_150 = vector.shape_cast %get3A_149 : vector<1x16xf32> to vector<16xf32>
      %mul3A_151 = arith.mulf %get3A_150, %get3A_130 : vector<16xf32>
      %add3A_152 = arith.addf %mul3A_145, %mul3A_151 : vector<16xf32>
      %get3A_153 = arith.constant 7 : i32
      %get3A_154 = arith.index_cast %get3A_153 : i32 to index
      %get3A_155 = arith.index_cast %mul3A_139 : i32 to index
      %get3A_156 = tpu.vector_load %arg10[%get3A_154, %get3A_155] {strides = array<i32>} : memref<8x1024xf32, #tpu.memory_space<vmem>>, vector<1x16xf32>,
      %get3A_157 = vector.shape_cast %get3A_156 : vector<1x16xf32> to vector<16xf32>
      %add3A_158 = arith.addf %add3A_152, %get3A_157 : vector<16xf32>
      %swap3A = arith.constant 7 : i32
      %swap3A_159 = arith.index_cast %swap3A : i32 to index
      %swap3A_160 = arith.index_cast %mul3A_139 : i32 to index
      %swap3A_161 = tpu.vector_load %arg11[%swap3A_159, %swap3A_160] {strides = array<i32>} : memref<8x1024xf32, #tpu.memory_space<vmem>>, vector<1x16xf32>,
      %swap3A_162 = vector.shape_cast %swap3A_161 : vector<1x16xf32> to vector<16xf32>
      %swap3A_163 = vector.shape_cast %add3A_158 : vector<16xf32> to vector<1x16xf32>
      tpu.vector_store %arg11[%swap3A_159, %swap3A_160], %swap3A_163 {strides = array<i32>} : memref<8x1024xf32, #tpu.memory_space<vmem>>, vector<1x16xf32>,
    }
    %scan3A_136 = arith.constant 64 : i32
    "tpu.region"() ({
      %run_scoped3A = tpu.sem_alloc : memref<!tpu.dma_semaphore, #tpu.memory_space<semaphore_mem>>
      %dma_start3A_137 = arith.constant 0 : i32
      %dma_start3A_138 = tpu.memref_slice %arg6[%mul3A_2, %dma_start3A_137] : memref<256x1024xf32, #tpu.memory_space<hbm>> -> memref<8x1024xf32, #tpu.memory_space<hbm>>
      %dma_start3A_139 = arith.constant 0 : i32
      %dma_start3A_140 = tpu.memref_slice %arg6[%mul3A_2, %dma_start3A_139] : memref<256x1024xf32, #tpu.memory_space<hbm>> -> memref<8x1024xf32, #tpu.memory_space<hbm>>
      tpu.enqueue_dma source(%arg11 : memref<8x1024xf32, #tpu.memory_space<vmem>>) target(%dma_start3A_140 : memref<8x1024xf32, #tpu.memory_space<hbm>>) target_semaphore(%run_scoped3A : memref<!tpu.dma_semaphore, #tpu.memory_space<semaphore_mem>>)
      %dma_wait3A_141 = arith.constant 0 : i32
      %dma_wait3A_142 = tpu.memref_slice %arg6[%mul3A_2, %dma_wait3A_141] : memref<256x1024xf32, #tpu.memory_space<hbm>> -> memref<8x1024xf32, #tpu.memory_space<hbm>>
      %dma_wait3A_143 = arith.constant 0 : i32
      %dma_wait3A_144 = tpu.memref_slice %arg6[%mul3A_2, %dma_wait3A_143] : memref<256x1024xf32, #tpu.memory_space<hbm>> -> memref<8x1024xf32, #tpu.memory_space<hbm>>
      tpu.wait_dma2 semaphore(%run_scoped3A : memref<!tpu.dma_semaphore, #tpu.memory_space<semaphore_mem>>) src(%arg11 : memref<8x1024xf32, #tpu.memory_space<vmem>>) dst(%dma_wait3A_144 : memref<8x1024xf32, #tpu.memory_space<hbm>>)
      tpu.yield
    }) : () -> ()
    return
  }
}

module attributes {stable_mosaic.version = 14 : i64} {
  func.func @_expert_body(%arg0: i32, %arg1: memref<64xi32, #tpu.memory_space<smem>>, %arg2: memref<64xi32, #tpu.memory_space<smem>>, %arg3: memref<1024x1024xf32, #tpu.memory_space<vmem>>, %arg4: memref<4x256x1024xf32, #tpu.memory_space<vmem>>, %arg5: memref<4x256x1024xf32, #tpu.memory_space<vmem>>, %arg6: memref<4x1024x256xf32, #tpu.memory_space<vmem>>, %arg7: memref<1024x1024xf32, #tpu.memory_space<vmem>>) attributes {dimension_semantics = [#tpu.dimension_semantics<arbitrary>], iteration_bounds = array<i64: 16>, scalar_prefetch = 2 : i64, scratch_operands = 0 : i64, tpu.core_type = #tpu.core_type<tc>, window_params = [{pipeline_mode = #tpu.pipeline_mode<synchronous>, transform_indices = @transform_0, window_bounds = array<i64: 1024, 1024>}, {transform_indices = @transform_1, window_bounds = array<i64: 4, 256, 1024>}, {transform_indices = @transform_2, window_bounds = array<i64: 4, 256, 1024>}, {transform_indices = @transform_3, window_bounds = array<i64: 4, 1024, 256>}, {pipeline_mode = #tpu.pipeline_mode<synchronous>, transform_indices = @transform_4, window_bounds = array<i64: 1024, 1024>}]} {
    %mul3A = arith.constant 4 : i32
    %mul3A_0 = arith.muli %arg0, %mul3A : i32
    %add3A = arith.constant 0 : i32
    %add3A_1 = arith.addi %mul3A_0, %add3A : i32
    %get3A = arith.index_cast %add3A_1 : i32 to index
    %get3A_2 = memref.load %arg1[%get3A] : memref<64xi32, #tpu.memory_space<smem>>
    %mul3A_3 = arith.constant 4 : i32
    %mul3A_4 = arith.muli %arg0, %mul3A_3 : i32
    %add3A_5 = arith.constant 0 : i32
    %add3A_6 = arith.addi %mul3A_4, %add3A_5 : i32
    %get3A_7 = arith.index_cast %add3A_6 : i32 to index
    %get3A_8 = memref.load %arg2[%get3A_7] : memref<64xi32, #tpu.memory_space<smem>>
    %get3A_9 = arith.constant 0 : index
    %get3A_10 = arith.constant 0 : index
    %get3A_11 = arith.constant 0 : index
    %get3A_12 = vector.load %arg4[%get3A_9, %get3A_10, %get3A_11] : memref<4x256x1024xf32, #tpu.memory_space<vmem>>, vector<1x256x1024xf32>
    %get3A_13 = vector.shape_cast %get3A_12 : vector<1x256x1024xf32> to vector<256x1024xf32>
    %get3A_14 = arith.constant 0 : index
    %get3A_15 = arith.constant 0 : index
    %get3A_16 = arith.constant 0 : index
    %get3A_17 = vector.load %arg5[%get3A_14, %get3A_15, %get3A_16] : memref<4x256x1024xf32, #tpu.memory_space<vmem>>, vector<1x256x1024xf32>
    %get3A_18 = vector.shape_cast %get3A_17 : vector<1x256x1024xf32> to vector<256x1024xf32>
    %get3A_19 = arith.constant 0 : index
    %get3A_20 = arith.constant 0 : index
    %get3A_21 = arith.constant 0 : index
    %get3A_22 = vector.load %arg6[%get3A_19, %get3A_20, %get3A_21] : memref<4x1024x256xf32, #tpu.memory_space<vmem>>, vector<1x1024x256xf32>
    %get3A_23 = vector.shape_cast %get3A_22 : vector<1x1024x256xf32> to vector<1024x256xf32>
    %jit3A = arith.constant 8 : i32
    %div3A = arith.divsi %get3A_8, %jit3A : i32
    %sign3A = arith.constant 0 : i32
    %sign3A_24 = arith.cmpi sgt, %get3A_8, %sign3A : i32
    %sign3A_25 = arith.extui %sign3A_24 : i1 to i32
    %sign3A_26 = arith.constant 0 : i32
    %sign3A_27 = arith.cmpi slt, %get3A_8, %sign3A_26 : i32
    %sign3A_28 = arith.extui %sign3A_27 : i1 to i32
    %sign3A_29 = arith.subi %sign3A_25, %sign3A_28 : i32
    %sign3A_30 = arith.constant 0 : i32
    %sign3A_31 = arith.cmpi sgt, %jit3A, %sign3A_30 : i32
    %sign3A_32 = arith.extui %sign3A_31 : i1 to i32
    %sign3A_33 = arith.constant 0 : i32
    %sign3A_34 = arith.cmpi slt, %jit3A, %sign3A_33 : i32
    %sign3A_35 = arith.extui %sign3A_34 : i1 to i32
    %sign3A_36 = arith.subi %sign3A_32, %sign3A_35 : i32
    %ne3A = arith.cmpi ne, %sign3A_29, %sign3A_36 : i32
    %rem3A = arith.remsi %get3A_8, %jit3A : i32
    %ne3A_37 = arith.constant 0 : i32
    %ne3A_38 = arith.cmpi ne, %rem3A, %ne3A_37 : i32
    %and3A = arith.andi %ne3A, %ne3A_38 : i1
    %sub3A = arith.constant 1 : i32
    %sub3A_39 = arith.subi %div3A, %sub3A : i32
    %select_n3A = arith.select %and3A, %sub3A_39, %div3A : i32
    %while3A = arith.constant 0 : i32
    %while3A_40 = arith.constant 0 : i32
    %while3A_41 = arith.subi %select_n3A, %while3A_40 : i32
    %while3A_42 = arith.addi %while3A_40, %while3A_41 : i32
    %while3A_43 = arith.constant 1 : i32
    %while3A_44 = arith.divsi %while3A_41, %while3A_43 : i32
    %while3A_45 = arith.muli %while3A_44, %while3A_43 : i32
    %while3A_46 = arith.addi %while3A_40, %while3A_45 : i32
    %while3A_47 = arith.constant 1 : i32
    scf.for %while3A_232 = %while3A_40 to %while3A_46 step %while3A_47  : i32 {
      %mul3A_233 = arith.constant 8 : i32
      %mul3A_234 = arith.muli %while3A_232, %mul3A_233 : i32
      %add3A_235 = arith.addi %get3A_2, %mul3A_234 : i32
      %multiple_of3A = tpu.assume_multiple %add3A_235, 8 : i32
      %get3A_236 = arith.index_cast %multiple_of3A : i32 to index
      %get3A_237 = arith.constant 0 : index
      %get3A_238 = vector.load %arg3[%get3A_236, %get3A_237] : memref<1024x1024xf32, #tpu.memory_space<vmem>>, vector<8x1024xf32>
      %dot_general3A = arith.constant dense<0.000000e+00> : vector<8x256xf32>
      %dot_general3A_239 = tpu.matmul %get3A_238, %get3A_13, %dot_general3A {dimension_numbers = #tpu.dot_dimension_numbers<[1], [1], [0], [0], [0, 0, 1, 0], [], []>, transpose_lhs_hint = false} : vector<8x1024xf32>, vector<256x1024xf32>, vector<8x256xf32> -> vector<8x256xf32>
      %dot_general3A_240 = arith.constant dense<0.000000e+00> : vector<8x256xf32>
      %dot_general3A_241 = tpu.matmul %get3A_238, %get3A_18, %dot_general3A_240 {dimension_numbers = #tpu.dot_dimension_numbers<[1], [1], [0], [0], [0, 0, 1, 0], [], []>, transpose_lhs_hint = false} : vector<8x1024xf32>, vector<256x1024xf32>, vector<8x256xf32> -> vector<8x256xf32>
      %neg3A = arith.constant 0.000000e+00 : f32
      %neg3A_242 = vector.broadcast %neg3A : f32 to vector<8x256xf32>
      %neg3A_243 = arith.subf %neg3A_242, %dot_general3A_239 : vector<8x256xf32>
      %exp3A = math.exp %neg3A_243 : vector<8x256xf32>
      %add3A_244 = arith.constant 1.000000e+00 : f32
      %add3A_245 = vector.broadcast %add3A_244 : f32 to vector<8x256xf32>
      %add3A_246 = arith.addf %add3A_245, %exp3A : vector<8x256xf32>
      %div3A_247 = arith.constant 1.000000e+00 : f32
      %div3A_248 = vector.broadcast %div3A_247 : f32 to vector<8x256xf32>
      %div3A_249 = arith.divf %div3A_248, %add3A_246 : vector<8x256xf32>
      %mul3A_250 = arith.mulf %dot_general3A_239, %div3A_249 : vector<8x256xf32>
      %mul3A_251 = arith.mulf %mul3A_250, %dot_general3A_241 : vector<8x256xf32>
      %dot_general3A_252 = arith.constant dense<0.000000e+00> : vector<8x1024xf32>
      %dot_general3A_253 = tpu.matmul %mul3A_251, %get3A_23, %dot_general3A_252 {dimension_numbers = #tpu.dot_dimension_numbers<[1], [1], [0], [0], [0, 0, 1, 0], [], []>, transpose_lhs_hint = false} : vector<8x256xf32>, vector<1024x256xf32>, vector<8x1024xf32> -> vector<8x1024xf32>
      %swap3A = arith.index_cast %multiple_of3A : i32 to index
      %swap3A_254 = arith.constant 0 : index
      %swap3A_255 = vector.load %arg7[%swap3A, %swap3A_254] : memref<1024x1024xf32, #tpu.memory_space<vmem>>, vector<8x1024xf32>
      tpu.vector_store %arg7[%swap3A, %swap3A_254], %dot_general3A_253 {strides = array<i32>} : memref<1024x1024xf32, #tpu.memory_space<vmem>>, vector<8x1024xf32>,
    }
    %while3A_48 = arith.constant 1 : i32
    scf.for %while3A_232 = %while3A_46 to %while3A_42 step %while3A_48  : i32 {
      %mul3A_233 = arith.constant 8 : i32
      %mul3A_234 = arith.muli %while3A_232, %mul3A_233 : i32
      %add3A_235 = arith.addi %get3A_2, %mul3A_234 : i32
      %multiple_of3A = tpu.assume_multiple %add3A_235, 8 : i32
      %get3A_236 = arith.index_cast %multiple_of3A : i32 to index
      %get3A_237 = arith.constant 0 : index
      %get3A_238 = vector.load %arg3[%get3A_236, %get3A_237] : memref<1024x1024xf32, #tpu.memory_space<vmem>>, vector<8x1024xf32>
      %dot_general3A = arith.constant dense<0.000000e+00> : vector<8x256xf32>
      %dot_general3A_239 = tpu.matmul %get3A_238, %get3A_13, %dot_general3A {dimension_numbers = #tpu.dot_dimension_numbers<[1], [1], [0], [0], [0, 0, 1, 0], [], []>, transpose_lhs_hint = false} : vector<8x1024xf32>, vector<256x1024xf32>, vector<8x256xf32> -> vector<8x256xf32>
      %dot_general3A_240 = arith.constant dense<0.000000e+00> : vector<8x256xf32>
      %dot_general3A_241 = tpu.matmul %get3A_238, %get3A_18, %dot_general3A_240 {dimension_numbers = #tpu.dot_dimension_numbers<[1], [1], [0], [0], [0, 0, 1, 0], [], []>, transpose_lhs_hint = false} : vector<8x1024xf32>, vector<256x1024xf32>, vector<8x256xf32> -> vector<8x256xf32>
      %neg3A = arith.constant 0.000000e+00 : f32
      %neg3A_242 = vector.broadcast %neg3A : f32 to vector<8x256xf32>
      %neg3A_243 = arith.subf %neg3A_242, %dot_general3A_239 : vector<8x256xf32>
      %exp3A = math.exp %neg3A_243 : vector<8x256xf32>
      %add3A_244 = arith.constant 1.000000e+00 : f32
      %add3A_245 = vector.broadcast %add3A_244 : f32 to vector<8x256xf32>
      %add3A_246 = arith.addf %add3A_245, %exp3A : vector<8x256xf32>
      %div3A_247 = arith.constant 1.000000e+00 : f32
      %div3A_248 = vector.broadcast %div3A_247 : f32 to vector<8x256xf32>
      %div3A_249 = arith.divf %div3A_248, %add3A_246 : vector<8x256xf32>
      %mul3A_250 = arith.mulf %dot_general3A_239, %div3A_249 : vector<8x256xf32>
      %mul3A_251 = arith.mulf %mul3A_250, %dot_general3A_241 : vector<8x256xf32>
      %dot_general3A_252 = arith.constant dense<0.000000e+00> : vector<8x1024xf32>
      %dot_general3A_253 = tpu.matmul %mul3A_251, %get3A_23, %dot_general3A_252 {dimension_numbers = #tpu.dot_dimension_numbers<[1], [1], [0], [0], [0, 0, 1, 0], [], []>, transpose_lhs_hint = false} : vector<8x256xf32>, vector<1024x256xf32>, vector<8x1024xf32> -> vector<8x1024xf32>
      %swap3A = arith.index_cast %multiple_of3A : i32 to index
      %swap3A_254 = arith.constant 0 : index
      %swap3A_255 = vector.load %arg7[%swap3A, %swap3A_254] : memref<1024x1024xf32, #tpu.memory_space<vmem>>, vector<8x1024xf32>
      tpu.vector_store %arg7[%swap3A, %swap3A_254], %dot_general3A_253 {strides = array<i32>} : memref<1024x1024xf32, #tpu.memory_space<vmem>>, vector<8x1024xf32>,
    }
    %mul3A_49 = arith.constant 4 : i32
    %mul3A_50 = arith.muli %arg0, %mul3A_49 : i32
    %add3A_51 = arith.constant 1 : i32
    %add3A_52 = arith.addi %mul3A_50, %add3A_51 : i32
    %get3A_53 = arith.index_cast %add3A_52 : i32 to index
    %get3A_54 = memref.load %arg1[%get3A_53] : memref<64xi32, #tpu.memory_space<smem>>
    %mul3A_55 = arith.constant 4 : i32
    %mul3A_56 = arith.muli %arg0, %mul3A_55 : i32
    %add3A_57 = arith.constant 1 : i32
    %add3A_58 = arith.addi %mul3A_56, %add3A_57 : i32
    %get3A_59 = arith.index_cast %add3A_58 : i32 to index
    %get3A_60 = memref.load %arg2[%get3A_59] : memref<64xi32, #tpu.memory_space<smem>>
    %get3A_61 = arith.constant 1 : index
    %get3A_62 = arith.constant 0 : index
    %get3A_63 = arith.constant 0 : index
    %get3A_64 = vector.load %arg4[%get3A_61, %get3A_62, %get3A_63] : memref<4x256x1024xf32, #tpu.memory_space<vmem>>, vector<1x256x1024xf32>
    %get3A_65 = vector.shape_cast %get3A_64 : vector<1x256x1024xf32> to vector<256x1024xf32>
    %get3A_66 = arith.constant 1 : index
    %get3A_67 = arith.constant 0 : index
    %get3A_68 = arith.constant 0 : index
    %get3A_69 = vector.load %arg5[%get3A_66, %get3A_67, %get3A_68] : memref<4x256x1024xf32, #tpu.memory_space<vmem>>, vector<1x256x1024xf32>
    %get3A_70 = vector.shape_cast %get3A_69 : vector<1x256x1024xf32> to vector<256x1024xf32>
    %get3A_71 = arith.constant 1 : index
    %get3A_72 = arith.constant 0 : index
    %get3A_73 = arith.constant 0 : index
    %get3A_74 = vector.load %arg6[%get3A_71, %get3A_72, %get3A_73] : memref<4x1024x256xf32, #tpu.memory_space<vmem>>, vector<1x1024x256xf32>
    %get3A_75 = vector.shape_cast %get3A_74 : vector<1x1024x256xf32> to vector<1024x256xf32>
    %jit3A_76 = arith.constant 8 : i32
    %div3A_77 = arith.divsi %get3A_60, %jit3A_76 : i32
    %sign3A_78 = arith.constant 0 : i32
    %sign3A_79 = arith.cmpi sgt, %get3A_60, %sign3A_78 : i32
    %sign3A_80 = arith.extui %sign3A_79 : i1 to i32
    %sign3A_81 = arith.constant 0 : i32
    %sign3A_82 = arith.cmpi slt, %get3A_60, %sign3A_81 : i32
    %sign3A_83 = arith.extui %sign3A_82 : i1 to i32
    %sign3A_84 = arith.subi %sign3A_80, %sign3A_83 : i32
    %sign3A_85 = arith.constant 0 : i32
    %sign3A_86 = arith.cmpi sgt, %jit3A_76, %sign3A_85 : i32
    %sign3A_87 = arith.extui %sign3A_86 : i1 to i32
    %sign3A_88 = arith.constant 0 : i32
    %sign3A_89 = arith.cmpi slt, %jit3A_76, %sign3A_88 : i32
    %sign3A_90 = arith.extui %sign3A_89 : i1 to i32
    %sign3A_91 = arith.subi %sign3A_87, %sign3A_90 : i32
    %ne3A_92 = arith.cmpi ne, %sign3A_84, %sign3A_91 : i32
    %rem3A_93 = arith.remsi %get3A_60, %jit3A_76 : i32
    %ne3A_94 = arith.constant 0 : i32
    %ne3A_95 = arith.cmpi ne, %rem3A_93, %ne3A_94 : i32
    %and3A_96 = arith.andi %ne3A_92, %ne3A_95 : i1
    %sub3A_97 = arith.constant 1 : i32
    %sub3A_98 = arith.subi %div3A_77, %sub3A_97 : i32
    %select_n3A_99 = arith.select %and3A_96, %sub3A_98, %div3A_77 : i32
    %while3A_100 = arith.constant 0 : i32
    %while3A_101 = arith.constant 0 : i32
    %while3A_102 = arith.subi %select_n3A_99, %while3A_101 : i32
    %while3A_103 = arith.addi %while3A_101, %while3A_102 : i32
    %while3A_104 = arith.constant 1 : i32
    %while3A_105 = arith.divsi %while3A_102, %while3A_104 : i32
    %while3A_106 = arith.muli %while3A_105, %while3A_104 : i32
    %while3A_107 = arith.addi %while3A_101, %while3A_106 : i32
    %while3A_108 = arith.constant 1 : i32
    scf.for %while3A_232 = %while3A_101 to %while3A_107 step %while3A_108  : i32 {
      %mul3A_233 = arith.constant 8 : i32
      %mul3A_234 = arith.muli %while3A_232, %mul3A_233 : i32
      %add3A_235 = arith.addi %get3A_54, %mul3A_234 : i32
      %multiple_of3A = tpu.assume_multiple %add3A_235, 8 : i32
      %get3A_236 = arith.index_cast %multiple_of3A : i32 to index
      %get3A_237 = arith.constant 0 : index
      %get3A_238 = vector.load %arg3[%get3A_236, %get3A_237] : memref<1024x1024xf32, #tpu.memory_space<vmem>>, vector<8x1024xf32>
      %dot_general3A = arith.constant dense<0.000000e+00> : vector<8x256xf32>
      %dot_general3A_239 = tpu.matmul %get3A_238, %get3A_65, %dot_general3A {dimension_numbers = #tpu.dot_dimension_numbers<[1], [1], [0], [0], [0, 0, 1, 0], [], []>, transpose_lhs_hint = false} : vector<8x1024xf32>, vector<256x1024xf32>, vector<8x256xf32> -> vector<8x256xf32>
      %dot_general3A_240 = arith.constant dense<0.000000e+00> : vector<8x256xf32>
      %dot_general3A_241 = tpu.matmul %get3A_238, %get3A_70, %dot_general3A_240 {dimension_numbers = #tpu.dot_dimension_numbers<[1], [1], [0], [0], [0, 0, 1, 0], [], []>, transpose_lhs_hint = false} : vector<8x1024xf32>, vector<256x1024xf32>, vector<8x256xf32> -> vector<8x256xf32>
      %neg3A = arith.constant 0.000000e+00 : f32
      %neg3A_242 = vector.broadcast %neg3A : f32 to vector<8x256xf32>
      %neg3A_243 = arith.subf %neg3A_242, %dot_general3A_239 : vector<8x256xf32>
      %exp3A = math.exp %neg3A_243 : vector<8x256xf32>
      %add3A_244 = arith.constant 1.000000e+00 : f32
      %add3A_245 = vector.broadcast %add3A_244 : f32 to vector<8x256xf32>
      %add3A_246 = arith.addf %add3A_245, %exp3A : vector<8x256xf32>
      %div3A_247 = arith.constant 1.000000e+00 : f32
      %div3A_248 = vector.broadcast %div3A_247 : f32 to vector<8x256xf32>
      %div3A_249 = arith.divf %div3A_248, %add3A_246 : vector<8x256xf32>
      %mul3A_250 = arith.mulf %dot_general3A_239, %div3A_249 : vector<8x256xf32>
      %mul3A_251 = arith.mulf %mul3A_250, %dot_general3A_241 : vector<8x256xf32>
      %dot_general3A_252 = arith.constant dense<0.000000e+00> : vector<8x1024xf32>
      %dot_general3A_253 = tpu.matmul %mul3A_251, %get3A_75, %dot_general3A_252 {dimension_numbers = #tpu.dot_dimension_numbers<[1], [1], [0], [0], [0, 0, 1, 0], [], []>, transpose_lhs_hint = false} : vector<8x256xf32>, vector<1024x256xf32>, vector<8x1024xf32> -> vector<8x1024xf32>
      %swap3A = arith.index_cast %multiple_of3A : i32 to index
      %swap3A_254 = arith.constant 0 : index
      %swap3A_255 = vector.load %arg7[%swap3A, %swap3A_254] : memref<1024x1024xf32, #tpu.memory_space<vmem>>, vector<8x1024xf32>
      tpu.vector_store %arg7[%swap3A, %swap3A_254], %dot_general3A_253 {strides = array<i32>} : memref<1024x1024xf32, #tpu.memory_space<vmem>>, vector<8x1024xf32>,
    }
    %while3A_109 = arith.constant 1 : i32
    scf.for %while3A_232 = %while3A_107 to %while3A_103 step %while3A_109  : i32 {
      %mul3A_233 = arith.constant 8 : i32
      %mul3A_234 = arith.muli %while3A_232, %mul3A_233 : i32
      %add3A_235 = arith.addi %get3A_54, %mul3A_234 : i32
      %multiple_of3A = tpu.assume_multiple %add3A_235, 8 : i32
      %get3A_236 = arith.index_cast %multiple_of3A : i32 to index
      %get3A_237 = arith.constant 0 : index
      %get3A_238 = vector.load %arg3[%get3A_236, %get3A_237] : memref<1024x1024xf32, #tpu.memory_space<vmem>>, vector<8x1024xf32>
      %dot_general3A = arith.constant dense<0.000000e+00> : vector<8x256xf32>
      %dot_general3A_239 = tpu.matmul %get3A_238, %get3A_65, %dot_general3A {dimension_numbers = #tpu.dot_dimension_numbers<[1], [1], [0], [0], [0, 0, 1, 0], [], []>, transpose_lhs_hint = false} : vector<8x1024xf32>, vector<256x1024xf32>, vector<8x256xf32> -> vector<8x256xf32>
      %dot_general3A_240 = arith.constant dense<0.000000e+00> : vector<8x256xf32>
      %dot_general3A_241 = tpu.matmul %get3A_238, %get3A_70, %dot_general3A_240 {dimension_numbers = #tpu.dot_dimension_numbers<[1], [1], [0], [0], [0, 0, 1, 0], [], []>, transpose_lhs_hint = false} : vector<8x1024xf32>, vector<256x1024xf32>, vector<8x256xf32> -> vector<8x256xf32>
      %neg3A = arith.constant 0.000000e+00 : f32
      %neg3A_242 = vector.broadcast %neg3A : f32 to vector<8x256xf32>
      %neg3A_243 = arith.subf %neg3A_242, %dot_general3A_239 : vector<8x256xf32>
      %exp3A = math.exp %neg3A_243 : vector<8x256xf32>
      %add3A_244 = arith.constant 1.000000e+00 : f32
      %add3A_245 = vector.broadcast %add3A_244 : f32 to vector<8x256xf32>
      %add3A_246 = arith.addf %add3A_245, %exp3A : vector<8x256xf32>
      %div3A_247 = arith.constant 1.000000e+00 : f32
      %div3A_248 = vector.broadcast %div3A_247 : f32 to vector<8x256xf32>
      %div3A_249 = arith.divf %div3A_248, %add3A_246 : vector<8x256xf32>
      %mul3A_250 = arith.mulf %dot_general3A_239, %div3A_249 : vector<8x256xf32>
      %mul3A_251 = arith.mulf %mul3A_250, %dot_general3A_241 : vector<8x256xf32>
      %dot_general3A_252 = arith.constant dense<0.000000e+00> : vector<8x1024xf32>
      %dot_general3A_253 = tpu.matmul %mul3A_251, %get3A_75, %dot_general3A_252 {dimension_numbers = #tpu.dot_dimension_numbers<[1], [1], [0], [0], [0, 0, 1, 0], [], []>, transpose_lhs_hint = false} : vector<8x256xf32>, vector<1024x256xf32>, vector<8x1024xf32> -> vector<8x1024xf32>
      %swap3A = arith.index_cast %multiple_of3A : i32 to index
      %swap3A_254 = arith.constant 0 : index
      %swap3A_255 = vector.load %arg7[%swap3A, %swap3A_254] : memref<1024x1024xf32, #tpu.memory_space<vmem>>, vector<8x1024xf32>
      tpu.vector_store %arg7[%swap3A, %swap3A_254], %dot_general3A_253 {strides = array<i32>} : memref<1024x1024xf32, #tpu.memory_space<vmem>>, vector<8x1024xf32>,
    }
    %mul3A_110 = arith.constant 4 : i32
    %mul3A_111 = arith.muli %arg0, %mul3A_110 : i32
    %add3A_112 = arith.constant 2 : i32
    %add3A_113 = arith.addi %mul3A_111, %add3A_112 : i32
    %get3A_114 = arith.index_cast %add3A_113 : i32 to index
    %get3A_115 = memref.load %arg1[%get3A_114] : memref<64xi32, #tpu.memory_space<smem>>
    %mul3A_116 = arith.constant 4 : i32
    %mul3A_117 = arith.muli %arg0, %mul3A_116 : i32
    %add3A_118 = arith.constant 2 : i32
    %add3A_119 = arith.addi %mul3A_117, %add3A_118 : i32
    %get3A_120 = arith.index_cast %add3A_119 : i32 to index
    %get3A_121 = memref.load %arg2[%get3A_120] : memref<64xi32, #tpu.memory_space<smem>>
    %get3A_122 = arith.constant 2 : index
    %get3A_123 = arith.constant 0 : index
    %get3A_124 = arith.constant 0 : index
    %get3A_125 = vector.load %arg4[%get3A_122, %get3A_123, %get3A_124] : memref<4x256x1024xf32, #tpu.memory_space<vmem>>, vector<1x256x1024xf32>
    %get3A_126 = vector.shape_cast %get3A_125 : vector<1x256x1024xf32> to vector<256x1024xf32>
    %get3A_127 = arith.constant 2 : index
    %get3A_128 = arith.constant 0 : index
    %get3A_129 = arith.constant 0 : index
    %get3A_130 = vector.load %arg5[%get3A_127, %get3A_128, %get3A_129] : memref<4x256x1024xf32, #tpu.memory_space<vmem>>, vector<1x256x1024xf32>
    %get3A_131 = vector.shape_cast %get3A_130 : vector<1x256x1024xf32> to vector<256x1024xf32>
    %get3A_132 = arith.constant 2 : index
    %get3A_133 = arith.constant 0 : index
    %get3A_134 = arith.constant 0 : index
    %get3A_135 = vector.load %arg6[%get3A_132, %get3A_133, %get3A_134] : memref<4x1024x256xf32, #tpu.memory_space<vmem>>, vector<1x1024x256xf32>
    %get3A_136 = vector.shape_cast %get3A_135 : vector<1x1024x256xf32> to vector<1024x256xf32>
    %jit3A_137 = arith.constant 8 : i32
    %div3A_138 = arith.divsi %get3A_121, %jit3A_137 : i32
    %sign3A_139 = arith.constant 0 : i32
    %sign3A_140 = arith.cmpi sgt, %get3A_121, %sign3A_139 : i32
    %sign3A_141 = arith.extui %sign3A_140 : i1 to i32
    %sign3A_142 = arith.constant 0 : i32
    %sign3A_143 = arith.cmpi slt, %get3A_121, %sign3A_142 : i32
    %sign3A_144 = arith.extui %sign3A_143 : i1 to i32
    %sign3A_145 = arith.subi %sign3A_141, %sign3A_144 : i32
    %sign3A_146 = arith.constant 0 : i32
    %sign3A_147 = arith.cmpi sgt, %jit3A_137, %sign3A_146 : i32
    %sign3A_148 = arith.extui %sign3A_147 : i1 to i32
    %sign3A_149 = arith.constant 0 : i32
    %sign3A_150 = arith.cmpi slt, %jit3A_137, %sign3A_149 : i32
    %sign3A_151 = arith.extui %sign3A_150 : i1 to i32
    %sign3A_152 = arith.subi %sign3A_148, %sign3A_151 : i32
    %ne3A_153 = arith.cmpi ne, %sign3A_145, %sign3A_152 : i32
    %rem3A_154 = arith.remsi %get3A_121, %jit3A_137 : i32
    %ne3A_155 = arith.constant 0 : i32
    %ne3A_156 = arith.cmpi ne, %rem3A_154, %ne3A_155 : i32
    %and3A_157 = arith.andi %ne3A_153, %ne3A_156 : i1
    %sub3A_158 = arith.constant 1 : i32
    %sub3A_159 = arith.subi %div3A_138, %sub3A_158 : i32
    %select_n3A_160 = arith.select %and3A_157, %sub3A_159, %div3A_138 : i32
    %while3A_161 = arith.constant 0 : i32
    %while3A_162 = arith.constant 0 : i32
    %while3A_163 = arith.subi %select_n3A_160, %while3A_162 : i32
    %while3A_164 = arith.addi %while3A_162, %while3A_163 : i32
    %while3A_165 = arith.constant 1 : i32
    %while3A_166 = arith.divsi %while3A_163, %while3A_165 : i32
    %while3A_167 = arith.muli %while3A_166, %while3A_165 : i32
    %while3A_168 = arith.addi %while3A_162, %while3A_167 : i32
    %while3A_169 = arith.constant 1 : i32
    scf.for %while3A_232 = %while3A_162 to %while3A_168 step %while3A_169  : i32 {
      %mul3A_233 = arith.constant 8 : i32
      %mul3A_234 = arith.muli %while3A_232, %mul3A_233 : i32
      %add3A_235 = arith.addi %get3A_115, %mul3A_234 : i32
      %multiple_of3A = tpu.assume_multiple %add3A_235, 8 : i32
      %get3A_236 = arith.index_cast %multiple_of3A : i32 to index
      %get3A_237 = arith.constant 0 : index
      %get3A_238 = vector.load %arg3[%get3A_236, %get3A_237] : memref<1024x1024xf32, #tpu.memory_space<vmem>>, vector<8x1024xf32>
      %dot_general3A = arith.constant dense<0.000000e+00> : vector<8x256xf32>
      %dot_general3A_239 = tpu.matmul %get3A_238, %get3A_126, %dot_general3A {dimension_numbers = #tpu.dot_dimension_numbers<[1], [1], [0], [0], [0, 0, 1, 0], [], []>, transpose_lhs_hint = false} : vector<8x1024xf32>, vector<256x1024xf32>, vector<8x256xf32> -> vector<8x256xf32>
      %dot_general3A_240 = arith.constant dense<0.000000e+00> : vector<8x256xf32>
      %dot_general3A_241 = tpu.matmul %get3A_238, %get3A_131, %dot_general3A_240 {dimension_numbers = #tpu.dot_dimension_numbers<[1], [1], [0], [0], [0, 0, 1, 0], [], []>, transpose_lhs_hint = false} : vector<8x1024xf32>, vector<256x1024xf32>, vector<8x256xf32> -> vector<8x256xf32>
      %neg3A = arith.constant 0.000000e+00 : f32
      %neg3A_242 = vector.broadcast %neg3A : f32 to vector<8x256xf32>
      %neg3A_243 = arith.subf %neg3A_242, %dot_general3A_239 : vector<8x256xf32>
      %exp3A = math.exp %neg3A_243 : vector<8x256xf32>
      %add3A_244 = arith.constant 1.000000e+00 : f32
      %add3A_245 = vector.broadcast %add3A_244 : f32 to vector<8x256xf32>
      %add3A_246 = arith.addf %add3A_245, %exp3A : vector<8x256xf32>
      %div3A_247 = arith.constant 1.000000e+00 : f32
      %div3A_248 = vector.broadcast %div3A_247 : f32 to vector<8x256xf32>
      %div3A_249 = arith.divf %div3A_248, %add3A_246 : vector<8x256xf32>
      %mul3A_250 = arith.mulf %dot_general3A_239, %div3A_249 : vector<8x256xf32>
      %mul3A_251 = arith.mulf %mul3A_250, %dot_general3A_241 : vector<8x256xf32>
      %dot_general3A_252 = arith.constant dense<0.000000e+00> : vector<8x1024xf32>
      %dot_general3A_253 = tpu.matmul %mul3A_251, %get3A_136, %dot_general3A_252 {dimension_numbers = #tpu.dot_dimension_numbers<[1], [1], [0], [0], [0, 0, 1, 0], [], []>, transpose_lhs_hint = false} : vector<8x256xf32>, vector<1024x256xf32>, vector<8x1024xf32> -> vector<8x1024xf32>
      %swap3A = arith.index_cast %multiple_of3A : i32 to index
      %swap3A_254 = arith.constant 0 : index
      %swap3A_255 = vector.load %arg7[%swap3A, %swap3A_254] : memref<1024x1024xf32, #tpu.memory_space<vmem>>, vector<8x1024xf32>
      tpu.vector_store %arg7[%swap3A, %swap3A_254], %dot_general3A_253 {strides = array<i32>} : memref<1024x1024xf32, #tpu.memory_space<vmem>>, vector<8x1024xf32>,
    }
    %while3A_170 = arith.constant 1 : i32
    scf.for %while3A_232 = %while3A_168 to %while3A_164 step %while3A_170  : i32 {
      %mul3A_233 = arith.constant 8 : i32
      %mul3A_234 = arith.muli %while3A_232, %mul3A_233 : i32
      %add3A_235 = arith.addi %get3A_115, %mul3A_234 : i32
      %multiple_of3A = tpu.assume_multiple %add3A_235, 8 : i32
      %get3A_236 = arith.index_cast %multiple_of3A : i32 to index
      %get3A_237 = arith.constant 0 : index
      %get3A_238 = vector.load %arg3[%get3A_236, %get3A_237] : memref<1024x1024xf32, #tpu.memory_space<vmem>>, vector<8x1024xf32>
      %dot_general3A = arith.constant dense<0.000000e+00> : vector<8x256xf32>
      %dot_general3A_239 = tpu.matmul %get3A_238, %get3A_126, %dot_general3A {dimension_numbers = #tpu.dot_dimension_numbers<[1], [1], [0], [0], [0, 0, 1, 0], [], []>, transpose_lhs_hint = false} : vector<8x1024xf32>, vector<256x1024xf32>, vector<8x256xf32> -> vector<8x256xf32>
      %dot_general3A_240 = arith.constant dense<0.000000e+00> : vector<8x256xf32>
      %dot_general3A_241 = tpu.matmul %get3A_238, %get3A_131, %dot_general3A_240 {dimension_numbers = #tpu.dot_dimension_numbers<[1], [1], [0], [0], [0, 0, 1, 0], [], []>, transpose_lhs_hint = false} : vector<8x1024xf32>, vector<256x1024xf32>, vector<8x256xf32> -> vector<8x256xf32>
      %neg3A = arith.constant 0.000000e+00 : f32
      %neg3A_242 = vector.broadcast %neg3A : f32 to vector<8x256xf32>
      %neg3A_243 = arith.subf %neg3A_242, %dot_general3A_239 : vector<8x256xf32>
      %exp3A = math.exp %neg3A_243 : vector<8x256xf32>
      %add3A_244 = arith.constant 1.000000e+00 : f32
      %add3A_245 = vector.broadcast %add3A_244 : f32 to vector<8x256xf32>
      %add3A_246 = arith.addf %add3A_245, %exp3A : vector<8x256xf32>
      %div3A_247 = arith.constant 1.000000e+00 : f32
      %div3A_248 = vector.broadcast %div3A_247 : f32 to vector<8x256xf32>
      %div3A_249 = arith.divf %div3A_248, %add3A_246 : vector<8x256xf32>
      %mul3A_250 = arith.mulf %dot_general3A_239, %div3A_249 : vector<8x256xf32>
      %mul3A_251 = arith.mulf %mul3A_250, %dot_general3A_241 : vector<8x256xf32>
      %dot_general3A_252 = arith.constant dense<0.000000e+00> : vector<8x1024xf32>
      %dot_general3A_253 = tpu.matmul %mul3A_251, %get3A_136, %dot_general3A_252 {dimension_numbers = #tpu.dot_dimension_numbers<[1], [1], [0], [0], [0, 0, 1, 0], [], []>, transpose_lhs_hint = false} : vector<8x256xf32>, vector<1024x256xf32>, vector<8x1024xf32> -> vector<8x1024xf32>
      %swap3A = arith.index_cast %multiple_of3A : i32 to index
      %swap3A_254 = arith.constant 0 : index
      %swap3A_255 = vector.load %arg7[%swap3A, %swap3A_254] : memref<1024x1024xf32, #tpu.memory_space<vmem>>, vector<8x1024xf32>
      tpu.vector_store %arg7[%swap3A, %swap3A_254], %dot_general3A_253 {strides = array<i32>} : memref<1024x1024xf32, #tpu.memory_space<vmem>>, vector<8x1024xf32>,
    }
    %mul3A_171 = arith.constant 4 : i32
    %mul3A_172 = arith.muli %arg0, %mul3A_171 : i32
    %add3A_173 = arith.constant 3 : i32
    %add3A_174 = arith.addi %mul3A_172, %add3A_173 : i32
    %get3A_175 = arith.index_cast %add3A_174 : i32 to index
    %get3A_176 = memref.load %arg1[%get3A_175] : memref<64xi32, #tpu.memory_space<smem>>
    %mul3A_177 = arith.constant 4 : i32
    %mul3A_178 = arith.muli %arg0, %mul3A_177 : i32
    %add3A_179 = arith.constant 3 : i32
    %add3A_180 = arith.addi %mul3A_178, %add3A_179 : i32
    %get3A_181 = arith.index_cast %add3A_180 : i32 to index
    %get3A_182 = memref.load %arg2[%get3A_181] : memref<64xi32, #tpu.memory_space<smem>>
    %get3A_183 = arith.constant 3 : index
    %get3A_184 = arith.constant 0 : index
    %get3A_185 = arith.constant 0 : index
    %get3A_186 = vector.load %arg4[%get3A_183, %get3A_184, %get3A_185] : memref<4x256x1024xf32, #tpu.memory_space<vmem>>, vector<1x256x1024xf32>
    %get3A_187 = vector.shape_cast %get3A_186 : vector<1x256x1024xf32> to vector<256x1024xf32>
    %get3A_188 = arith.constant 3 : index
    %get3A_189 = arith.constant 0 : index
    %get3A_190 = arith.constant 0 : index
    %get3A_191 = vector.load %arg5[%get3A_188, %get3A_189, %get3A_190] : memref<4x256x1024xf32, #tpu.memory_space<vmem>>, vector<1x256x1024xf32>
    %get3A_192 = vector.shape_cast %get3A_191 : vector<1x256x1024xf32> to vector<256x1024xf32>
    %get3A_193 = arith.constant 3 : index
    %get3A_194 = arith.constant 0 : index
    %get3A_195 = arith.constant 0 : index
    %get3A_196 = vector.load %arg6[%get3A_193, %get3A_194, %get3A_195] : memref<4x1024x256xf32, #tpu.memory_space<vmem>>, vector<1x1024x256xf32>
    %get3A_197 = vector.shape_cast %get3A_196 : vector<1x1024x256xf32> to vector<1024x256xf32>
    %jit3A_198 = arith.constant 8 : i32
    %div3A_199 = arith.divsi %get3A_182, %jit3A_198 : i32
    %sign3A_200 = arith.constant 0 : i32
    %sign3A_201 = arith.cmpi sgt, %get3A_182, %sign3A_200 : i32
    %sign3A_202 = arith.extui %sign3A_201 : i1 to i32
    %sign3A_203 = arith.constant 0 : i32
    %sign3A_204 = arith.cmpi slt, %get3A_182, %sign3A_203 : i32
    %sign3A_205 = arith.extui %sign3A_204 : i1 to i32
    %sign3A_206 = arith.subi %sign3A_202, %sign3A_205 : i32
    %sign3A_207 = arith.constant 0 : i32
    %sign3A_208 = arith.cmpi sgt, %jit3A_198, %sign3A_207 : i32
    %sign3A_209 = arith.extui %sign3A_208 : i1 to i32
    %sign3A_210 = arith.constant 0 : i32
    %sign3A_211 = arith.cmpi slt, %jit3A_198, %sign3A_210 : i32
    %sign3A_212 = arith.extui %sign3A_211 : i1 to i32
    %sign3A_213 = arith.subi %sign3A_209, %sign3A_212 : i32
    %ne3A_214 = arith.cmpi ne, %sign3A_206, %sign3A_213 : i32
    %rem3A_215 = arith.remsi %get3A_182, %jit3A_198 : i32
    %ne3A_216 = arith.constant 0 : i32
    %ne3A_217 = arith.cmpi ne, %rem3A_215, %ne3A_216 : i32
    %and3A_218 = arith.andi %ne3A_214, %ne3A_217 : i1
    %sub3A_219 = arith.constant 1 : i32
    %sub3A_220 = arith.subi %div3A_199, %sub3A_219 : i32
    %select_n3A_221 = arith.select %and3A_218, %sub3A_220, %div3A_199 : i32
    %while3A_222 = arith.constant 0 : i32
    %while3A_223 = arith.constant 0 : i32
    %while3A_224 = arith.subi %select_n3A_221, %while3A_223 : i32
    %while3A_225 = arith.addi %while3A_223, %while3A_224 : i32
    %while3A_226 = arith.constant 1 : i32
    %while3A_227 = arith.divsi %while3A_224, %while3A_226 : i32
    %while3A_228 = arith.muli %while3A_227, %while3A_226 : i32
    %while3A_229 = arith.addi %while3A_223, %while3A_228 : i32
    %while3A_230 = arith.constant 1 : i32
    scf.for %while3A_232 = %while3A_223 to %while3A_229 step %while3A_230  : i32 {
      %mul3A_233 = arith.constant 8 : i32
      %mul3A_234 = arith.muli %while3A_232, %mul3A_233 : i32
      %add3A_235 = arith.addi %get3A_176, %mul3A_234 : i32
      %multiple_of3A = tpu.assume_multiple %add3A_235, 8 : i32
      %get3A_236 = arith.index_cast %multiple_of3A : i32 to index
      %get3A_237 = arith.constant 0 : index
      %get3A_238 = vector.load %arg3[%get3A_236, %get3A_237] : memref<1024x1024xf32, #tpu.memory_space<vmem>>, vector<8x1024xf32>
      %dot_general3A = arith.constant dense<0.000000e+00> : vector<8x256xf32>
      %dot_general3A_239 = tpu.matmul %get3A_238, %get3A_187, %dot_general3A {dimension_numbers = #tpu.dot_dimension_numbers<[1], [1], [0], [0], [0, 0, 1, 0], [], []>, transpose_lhs_hint = false} : vector<8x1024xf32>, vector<256x1024xf32>, vector<8x256xf32> -> vector<8x256xf32>
      %dot_general3A_240 = arith.constant dense<0.000000e+00> : vector<8x256xf32>
      %dot_general3A_241 = tpu.matmul %get3A_238, %get3A_192, %dot_general3A_240 {dimension_numbers = #tpu.dot_dimension_numbers<[1], [1], [0], [0], [0, 0, 1, 0], [], []>, transpose_lhs_hint = false} : vector<8x1024xf32>, vector<256x1024xf32>, vector<8x256xf32> -> vector<8x256xf32>
      %neg3A = arith.constant 0.000000e+00 : f32
      %neg3A_242 = vector.broadcast %neg3A : f32 to vector<8x256xf32>
      %neg3A_243 = arith.subf %neg3A_242, %dot_general3A_239 : vector<8x256xf32>
      %exp3A = math.exp %neg3A_243 : vector<8x256xf32>
      %add3A_244 = arith.constant 1.000000e+00 : f32
      %add3A_245 = vector.broadcast %add3A_244 : f32 to vector<8x256xf32>
      %add3A_246 = arith.addf %add3A_245, %exp3A : vector<8x256xf32>
      %div3A_247 = arith.constant 1.000000e+00 : f32
      %div3A_248 = vector.broadcast %div3A_247 : f32 to vector<8x256xf32>
      %div3A_249 = arith.divf %div3A_248, %add3A_246 : vector<8x256xf32>
      %mul3A_250 = arith.mulf %dot_general3A_239, %div3A_249 : vector<8x256xf32>
      %mul3A_251 = arith.mulf %mul3A_250, %dot_general3A_241 : vector<8x256xf32>
      %dot_general3A_252 = arith.constant dense<0.000000e+00> : vector<8x1024xf32>
      %dot_general3A_253 = tpu.matmul %mul3A_251, %get3A_197, %dot_general3A_252 {dimension_numbers = #tpu.dot_dimension_numbers<[1], [1], [0], [0], [0, 0, 1, 0], [], []>, transpose_lhs_hint = false} : vector<8x256xf32>, vector<1024x256xf32>, vector<8x1024xf32> -> vector<8x1024xf32>
      %swap3A = arith.index_cast %multiple_of3A : i32 to index
      %swap3A_254 = arith.constant 0 : index
      %swap3A_255 = vector.load %arg7[%swap3A, %swap3A_254] : memref<1024x1024xf32, #tpu.memory_space<vmem>>, vector<8x1024xf32>
      tpu.vector_store %arg7[%swap3A, %swap3A_254], %dot_general3A_253 {strides = array<i32>} : memref<1024x1024xf32, #tpu.memory_space<vmem>>, vector<8x1024xf32>,
    }
    %while3A_231 = arith.constant 1 : i32
    scf.for %while3A_232 = %while3A_229 to %while3A_225 step %while3A_231  : i32 {
      %mul3A_233 = arith.constant 8 : i32
      %mul3A_234 = arith.muli %while3A_232, %mul3A_233 : i32
      %add3A_235 = arith.addi %get3A_176, %mul3A_234 : i32
      %multiple_of3A = tpu.assume_multiple %add3A_235, 8 : i32
      %get3A_236 = arith.index_cast %multiple_of3A : i32 to index
      %get3A_237 = arith.constant 0 : index
      %get3A_238 = vector.load %arg3[%get3A_236, %get3A_237] : memref<1024x1024xf32, #tpu.memory_space<vmem>>, vector<8x1024xf32>
      %dot_general3A = arith.constant dense<0.000000e+00> : vector<8x256xf32>
      %dot_general3A_239 = tpu.matmul %get3A_238, %get3A_187, %dot_general3A {dimension_numbers = #tpu.dot_dimension_numbers<[1], [1], [0], [0], [0, 0, 1, 0], [], []>, transpose_lhs_hint = false} : vector<8x1024xf32>, vector<256x1024xf32>, vector<8x256xf32> -> vector<8x256xf32>
      %dot_general3A_240 = arith.constant dense<0.000000e+00> : vector<8x256xf32>
      %dot_general3A_241 = tpu.matmul %get3A_238, %get3A_192, %dot_general3A_240 {dimension_numbers = #tpu.dot_dimension_numbers<[1], [1], [0], [0], [0, 0, 1, 0], [], []>, transpose_lhs_hint = false} : vector<8x1024xf32>, vector<256x1024xf32>, vector<8x256xf32> -> vector<8x256xf32>
      %neg3A = arith.constant 0.000000e+00 : f32
      %neg3A_242 = vector.broadcast %neg3A : f32 to vector<8x256xf32>
      %neg3A_243 = arith.subf %neg3A_242, %dot_general3A_239 : vector<8x256xf32>
      %exp3A = math.exp %neg3A_243 : vector<8x256xf32>
      %add3A_244 = arith.constant 1.000000e+00 : f32
      %add3A_245 = vector.broadcast %add3A_244 : f32 to vector<8x256xf32>
      %add3A_246 = arith.addf %add3A_245, %exp3A : vector<8x256xf32>
      %div3A_247 = arith.constant 1.000000e+00 : f32
      %div3A_248 = vector.broadcast %div3A_247 : f32 to vector<8x256xf32>
      %div3A_249 = arith.divf %div3A_248, %add3A_246 : vector<8x256xf32>
      %mul3A_250 = arith.mulf %dot_general3A_239, %div3A_249 : vector<8x256xf32>
      %mul3A_251 = arith.mulf %mul3A_250, %dot_general3A_241 : vector<8x256xf32>
      %dot_general3A_252 = arith.constant dense<0.000000e+00> : vector<8x1024xf32>
      %dot_general3A_253 = tpu.matmul %mul3A_251, %get3A_197, %dot_general3A_252 {dimension_numbers = #tpu.dot_dimension_numbers<[1], [1], [0], [0], [0, 0, 1, 0], [], []>, transpose_lhs_hint = false} : vector<8x256xf32>, vector<1024x256xf32>, vector<8x1024xf32> -> vector<8x1024xf32>
      %swap3A = arith.index_cast %multiple_of3A : i32 to index
      %swap3A_254 = arith.constant 0 : index
      %swap3A_255 = vector.load %arg7[%swap3A, %swap3A_254] : memref<1024x1024xf32, #tpu.memory_space<vmem>>, vector<8x1024xf32>
      tpu.vector_store %arg7[%swap3A, %swap3A_254], %dot_general3A_253 {strides = array<i32>} : memref<1024x1024xf32, #tpu.memory_space<vmem>>, vector<8x1024xf32>,
    }
    return
  }
  func.func @transform_0(%arg0: i32, %arg1: memref<64xi32, #tpu.memory_space<smem>>, %arg2: memref<64xi32, #tpu.memory_space<smem>>) -> (i32, i32) {
    %c0_i32 = arith.constant 0 : i32
    %c0_i32_0 = arith.constant 0 : i32
    %c0_i32_1 = arith.constant 0 : i32
    return %c0_i32, %c0_i32_0 : i32, i32
  }
  func.func @transform_1(%arg0: i32, %arg1: memref<64xi32, #tpu.memory_space<smem>>, %arg2: memref<64xi32, #tpu.memory_space<smem>>) -> (i32, i32, i32) {
    %c0_i32 = arith.constant 0 : i32
    %c0_i32_0 = arith.constant 0 : i32
    %c0_i32_1 = arith.constant 0 : i32
    return %arg0, %c0_i32, %c0_i32_0 : i32, i32, i32
  }
  func.func @transform_2(%arg0: i32, %arg1: memref<64xi32, #tpu.memory_space<smem>>, %arg2: memref<64xi32, #tpu.memory_space<smem>>) -> (i32, i32, i32) {
    %c0_i32 = arith.constant 0 : i32
    %c0_i32_0 = arith.constant 0 : i32
    %c0_i32_1 = arith.constant 0 : i32
    return %arg0, %c0_i32, %c0_i32_0 : i32, i32, i32
  }
  func.func @transform_3(%arg0: i32, %arg1: memref<64xi32, #tpu.memory_space<smem>>, %arg2: memref<64xi32, #tpu.memory_space<smem>>) -> (i32, i32, i32) {
    %c0_i32 = arith.constant 0 : i32
    %c0_i32_0 = arith.constant 0 : i32
    %c0_i32_1 = arith.constant 0 : i32
    return %arg0, %c0_i32, %c0_i32_0 : i32, i32, i32
  }
  func.func @transform_4(%arg0: i32, %arg1: memref<64xi32, #tpu.memory_space<smem>>, %arg2: memref<64xi32, #tpu.memory_space<smem>>) -> (i32, i32) {
    %c0_i32 = arith.constant 0 : i32
    %c0_i32_0 = arith.constant 0 : i32
    %c0_i32_1 = arith.constant 0 : i32
    return %c0_i32, %c0_i32_0 : i32, i32
  }
}

module attributes {stable_mosaic.version = 14 : i64} {
  func.func @_route_body(%arg0: memref<256x1024xf32, #tpu.memory_space<vmem>>, %arg1: memref<64x1024xf32, #tpu.memory_space<vmem>>, %arg2: memref<1x64xf32, #tpu.memory_space<vmem>>, %arg3: memref<256x1024xf32, #tpu.memory_space<vmem>>, %arg4: memref<1024x256xf32, #tpu.memory_space<vmem>>, %arg5: memref<256x1024xf32, #tpu.memory_space<vmem>>, %arg6: memref<1024x1024xf32, #tpu.memory_space<vmem>>, %arg7: memref<512x1xi32, #tpu.memory_space<vmem>>, %arg8: memref<512x16xf32, #tpu.memory_space<vmem>>, %arg9: memref<1x64xi32, #tpu.memory_space<vmem>>, %arg10: memref<1x64xi32, #tpu.memory_space<vmem>>, %arg11: memref<256x1024xf32, #tpu.memory_space<vmem>>) attributes {dimension_semantics = [], scalar_prefetch = 0 : i64, scratch_operands = 0 : i64, tpu.core_type = #tpu.core_type<tc>} {
    %get3A = arith.constant 0 : index
    %get3A_0 = arith.constant 0 : index
    %get3A_1 = vector.load %arg0[%get3A, %get3A_0] : memref<256x1024xf32, #tpu.memory_space<vmem>>, vector<256x1024xf32>
    %get3A_2 = arith.constant 0 : index
    %get3A_3 = arith.constant 0 : index
    %get3A_4 = vector.load %arg1[%get3A_2, %get3A_3] : memref<64x1024xf32, #tpu.memory_space<vmem>>, vector<64x1024xf32>
    %dot_general3A = arith.constant dense<0.000000e+00> : vector<256x64xf32>
    %dot_general3A_5 = tpu.matmul %get3A_1, %get3A_4, %dot_general3A {dimension_numbers = #tpu.dot_dimension_numbers<[1], [1], [0], [0], [0, 0, 1, 0], [], []>, transpose_lhs_hint = false} : vector<256x1024xf32>, vector<64x1024xf32>, vector<256x64xf32> -> vector<256x64xf32>
    %get3A_6 = arith.constant 0 : index
    %get3A_7 = arith.constant 0 : index
    %get3A_8 = vector.load %arg2[%get3A_6, %get3A_7] : memref<1x64xf32, #tpu.memory_space<vmem>>, vector<1x64xf32>
    %add3A = vector.broadcast %get3A_8 : vector<1x64xf32> to vector<256x64xf32>
    %add3A_9 = arith.addf %dot_general3A_5, %add3A : vector<256x64xf32>
    %reduce_max3A = arith.constant dense<0xFF800000> : vector<256xf32>
    %reduce_max3A_10 = vector.multi_reduction <maximumf>, %add3A_9, %reduce_max3A [1] : vector<256x64xf32> to vector<256xf32>
    %broadcast_in_dim3A = vector.shape_cast %reduce_max3A_10 : vector<256xf32> to vector<256x1xf32>
    %sub3A = vector.broadcast %broadcast_in_dim3A : vector<256x1xf32> to vector<256x64xf32>
    %sub3A_11 = arith.subf %add3A_9, %sub3A : vector<256x64xf32>
    %exp3A = math.exp %sub3A_11 : vector<256x64xf32>
    %reduce_sum3A = arith.constant dense<0.000000e+00> : vector<256xf32>
    %reduce_sum3A_12 = vector.multi_reduction <add>, %exp3A, %reduce_sum3A [1] : vector<256x64xf32> to vector<256xf32>
    %broadcast_in_dim3A_13 = vector.shape_cast %reduce_sum3A_12 : vector<256xf32> to vector<256x1xf32>
    %div3A = vector.broadcast %broadcast_in_dim3A_13 : vector<256x1xf32> to vector<256x64xf32>
    %div3A_14 = arith.divf %exp3A, %div3A : vector<256x64xf32>
    %iota3A = tpu.iota {dimensions = array<i32: 1>} : vector<256x64xi32>
    %reduce_max3A_15 = arith.constant dense<0xFF800000> : vector<256xf32>
    %reduce_max3A_16 = vector.multi_reduction <maximumf>, %div3A_14, %reduce_max3A_15 [1] : vector<256x64xf32> to vector<256xf32>
    %broadcast_in_dim3A_17 = vector.shape_cast %reduce_max3A_16 : vector<256xf32> to vector<256x1xf32>
    %ge3A = vector.broadcast %broadcast_in_dim3A_17 : vector<256x1xf32> to vector<256x64xf32>
    %ge3A_18 = arith.cmpf oge, %div3A_14, %ge3A : vector<256x64xf32>
    %jit3A = arith.constant 10000 : i32
    %broadcast_in_dim3A_19 = vector.broadcast %jit3A : i32 to vector<256x64xi32>
    %select_n3A = arith.select %ge3A_18, %iota3A, %broadcast_in_dim3A_19 : vector<256x64xi1>, vector<256x64xi32>
    %reduce_min3A = arith.constant dense<2147483647> : vector<256xi32>
    %reduce_min3A_20 = vector.multi_reduction <minsi>, %select_n3A, %reduce_min3A [1] : vector<256x64xi32> to vector<256xi32>
    %broadcast_in_dim3A_21 = vector.shape_cast %reduce_min3A_20 : vector<256xi32> to vector<256x1xi32>
    %eq3A = vector.broadcast %broadcast_in_dim3A_21 : vector<256x1xi32> to vector<256x64xi32>
    %eq3A_22 = arith.cmpi eq, %iota3A, %eq3A : vector<256x64xi32>
    %jit3A_23 = arith.constant -1.000000e+00 : f32
    %broadcast_in_dim3A_24 = vector.broadcast %jit3A_23 : f32 to vector<256x64xf32>
    %select_n3A_25 = arith.select %eq3A_22, %broadcast_in_dim3A_24, %div3A_14 : vector<256x64xi1>, vector<256x64xf32>
    %reduce_max3A_26 = arith.constant dense<0xFF800000> : vector<256xf32>
    %reduce_max3A_27 = vector.multi_reduction <maximumf>, %select_n3A_25, %reduce_max3A_26 [1] : vector<256x64xf32> to vector<256xf32>
    %broadcast_in_dim3A_28 = vector.shape_cast %reduce_max3A_27 : vector<256xf32> to vector<256x1xf32>
    %ge3A_29 = vector.broadcast %broadcast_in_dim3A_28 : vector<256x1xf32> to vector<256x64xf32>
    %ge3A_30 = arith.cmpf oge, %select_n3A_25, %ge3A_29 : vector<256x64xf32>
    %jit3A_31 = arith.constant 10000 : i32
    %broadcast_in_dim3A_32 = vector.broadcast %jit3A_31 : i32 to vector<256x64xi32>
    %select_n3A_33 = arith.select %ge3A_30, %iota3A, %broadcast_in_dim3A_32 : vector<256x64xi1>, vector<256x64xi32>
    %reduce_min3A_34 = arith.constant dense<2147483647> : vector<256xi32>
    %reduce_min3A_35 = vector.multi_reduction <minsi>, %select_n3A_33, %reduce_min3A_34 [1] : vector<256x64xi32> to vector<256xi32>
    %broadcast_in_dim3A_36 = vector.shape_cast %reduce_min3A_35 : vector<256xi32> to vector<256x1xi32>
    %add3A_37 = arith.addf %broadcast_in_dim3A_17, %broadcast_in_dim3A_28 : vector<256x1xf32>
    %add3A_38 = arith.constant 9.99999993E-9 : f32
    %add3A_39 = vector.broadcast %add3A_38 : f32 to vector<256x1xf32>
    %add3A_40 = arith.addf %add3A_37, %add3A_39 : vector<256x1xf32>
    %div3A_41 = arith.divf %broadcast_in_dim3A_17, %add3A_40 : vector<256x1xf32>
    %div3A_42 = arith.divf %broadcast_in_dim3A_28, %add3A_40 : vector<256x1xf32>
    %concatenate3A = tpu.concatenate %broadcast_in_dim3A_21, %broadcast_in_dim3A_36 in 0 : vector<256x1xi32>, vector<256x1xi32> -> vector<512x1xi32>
    %concatenate3A_43 = tpu.concatenate %div3A_41, %div3A_42 in 0 : vector<256x1xf32>, vector<256x1xf32> -> vector<512x1xf32>
    %iota3A_44 = tpu.iota {dimensions = array<i32: 1>} : vector<1x64xi32>
    %eq3A_45 = vector.broadcast %concatenate3A : vector<512x1xi32> to vector<512x64xi32>
    %eq3A_46 = vector.broadcast %iota3A_44 : vector<1x64xi32> to vector<512x64xi32>
    %eq3A_47 = arith.cmpi eq, %eq3A_45, %eq3A_46 : vector<512x64xi32>
    %convert_element_type3A = arith.extui %eq3A_47 : vector<512x64xi1> to vector<512x64xi32>
    %convert_element_type3A_48 = arith.sitofp %convert_element_type3A : vector<512x64xi32> to vector<512x64xf32>
    %iota3A_49 = tpu.iota {dimensions = array<i32: 0>} : vector<512x512xi32>
    %iota3A_50 = tpu.iota {dimensions = array<i32: 1>} : vector<512x512xi32>
    %le3A = arith.cmpi sle, %iota3A_50, %iota3A_49 : vector<512x512xi32>
    %convert_element_type3A_51 = arith.extui %le3A : vector<512x512xi1> to vector<512x512xi32>
    %convert_element_type3A_52 = arith.sitofp %convert_element_type3A_51 : vector<512x512xi32> to vector<512x512xf32>
    %dot_general3A_53 = arith.constant dense<0.000000e+00> : vector<512x64xf32>
    %dot_general3A_54 = tpu.matmul %convert_element_type3A_52, %convert_element_type3A_48, %dot_general3A_53 {dimension_numbers = #tpu.dot_dimension_numbers<[1], [0], [0], [1], [0, 0, 1, 1], [], []>, transpose_lhs_hint = false} : vector<512x512xf32>, vector<512x64xf32>, vector<512x64xf32> -> vector<512x64xf32>
    %mul3A = arith.mulf %dot_general3A_54, %convert_element_type3A_48 : vector<512x64xf32>
    %reduce_sum3A_55 = arith.constant dense<0.000000e+00> : vector<512xf32>
    %reduce_sum3A_56 = vector.multi_reduction <add>, %mul3A, %reduce_sum3A_55 [1] : vector<512x64xf32> to vector<512xf32>
    %broadcast_in_dim3A_57 = vector.shape_cast %reduce_sum3A_56 : vector<512xf32> to vector<512x1xf32>
    %sub3A_58 = arith.constant 1.000000e+00 : f32
    %sub3A_59 = vector.broadcast %sub3A_58 : f32 to vector<512x1xf32>
    %sub3A_60 = arith.subf %broadcast_in_dim3A_57, %sub3A_59 : vector<512x1xf32>
    %reduce_sum3A_61 = arith.constant dense<0.000000e+00> : vector<64xf32>
    %reduce_sum3A_62 = vector.multi_reduction <add>, %convert_element_type3A_48, %reduce_sum3A_61 [0] : vector<512x64xf32> to vector<64xf32>
    %broadcast_in_dim3A_63 = vector.shape_cast %reduce_sum3A_62 : vector<64xf32> to vector<1x64xf32>
    %add3A_64 = arith.constant 7.000000e+00 : f32
    %add3A_65 = vector.broadcast %add3A_64 : f32 to vector<1x64xf32>
    %add3A_66 = arith.addf %broadcast_in_dim3A_63, %add3A_65 : vector<1x64xf32>
    %mul3A_67 = arith.constant 1.250000e-01 : f32
    %mul3A_68 = vector.broadcast %mul3A_67 : f32 to vector<1x64xf32>
    %mul3A_69 = arith.mulf %add3A_66, %mul3A_68 : vector<1x64xf32>
    %floor3A = math.floor %mul3A_69 : vector<1x64xf32>
    %mul3A_70 = arith.constant 8.000000e+00 : f32
    %mul3A_71 = vector.broadcast %mul3A_70 : f32 to vector<1x64xf32>
    %mul3A_72 = arith.mulf %floor3A, %mul3A_71 : vector<1x64xf32>
    %iota3A_73 = tpu.iota {dimensions = array<i32: 0>} : vector<64x64xi32>
    %iota3A_74 = tpu.iota {dimensions = array<i32: 1>} : vector<64x64xi32>
    %lt3A = arith.cmpi slt, %iota3A_73, %iota3A_74 : vector<64x64xi32>
    %convert_element_type3A_75 = arith.extui %lt3A : vector<64x64xi1> to vector<64x64xi32>
    %convert_element_type3A_76 = arith.sitofp %convert_element_type3A_75 : vector<64x64xi32> to vector<64x64xf32>
    %dot_general3A_77 = arith.constant dense<0.000000e+00> : vector<1x64xf32>
    %dot_general3A_78 = tpu.matmul %mul3A_72, %convert_element_type3A_76, %dot_general3A_77 {dimension_numbers = #tpu.dot_dimension_numbers<[1], [0], [0], [1], [0, 0, 1, 1], [], []>, transpose_lhs_hint = false} : vector<1x64xf32>, vector<64x64xf32>, vector<1x64xf32> -> vector<1x64xf32>
    %mul3A_79 = vector.broadcast %dot_general3A_78 : vector<1x64xf32> to vector<512x64xf32>
    %mul3A_80 = arith.mulf %convert_element_type3A_48, %mul3A_79 : vector<512x64xf32>
    %reduce_sum3A_81 = arith.constant dense<0.000000e+00> : vector<512xf32>
    %reduce_sum3A_82 = vector.multi_reduction <add>, %mul3A_80, %reduce_sum3A_81 [1] : vector<512x64xf32> to vector<512xf32>
    %broadcast_in_dim3A_83 = vector.shape_cast %reduce_sum3A_82 : vector<512xf32> to vector<512x1xf32>
    %add3A_84 = arith.addf %broadcast_in_dim3A_83, %sub3A_60 : vector<512x1xf32>
    %convert_element_type3A_85 = arith.fptosi %add3A_84 : vector<512x1xf32> to vector<512x1xi32>
    %iota3A_86 = tpu.iota {dimensions = array<i32: 1>} : vector<1x1024xi32>
    %eq3A_87 = vector.broadcast %convert_element_type3A_85 : vector<512x1xi32> to vector<512x1024xi32>
    %eq3A_88 = vector.broadcast %iota3A_86 : vector<1x1024xi32> to vector<512x1024xi32>
    %eq3A_89 = arith.cmpi eq, %eq3A_87, %eq3A_88 : vector<512x1024xi32>
    %convert_element_type3A_90 = arith.extui %eq3A_89 : vector<512x1024xi1> to vector<512x1024xi32>
    %convert_element_type3A_91 = arith.sitofp %convert_element_type3A_90 : vector<512x1024xi32> to vector<512x1024xf32>
    %concatenate3A_92 = tpu.concatenate %get3A_1, %get3A_1 in 0 : vector<256x1024xf32>, vector<256x1024xf32> -> vector<512x1024xf32>
    %dot_general3A_93 = arith.constant dense<0.000000e+00> : vector<1024x1024xf32>
    %dot_general3A_94 = tpu.matmul %convert_element_type3A_91, %concatenate3A_92, %dot_general3A_93 {dimension_numbers = #tpu.dot_dimension_numbers<[0], [0], [1], [1], [0, 1, 1, 1], [], []>, transpose_lhs_hint = false} : vector<512x1024xf32>, vector<512x1024xf32>, vector<1024x1024xf32> -> vector<1024x1024xf32>
    %swap3A = arith.constant 0 : index
    %swap3A_95 = arith.constant 0 : index
    %swap3A_96 = vector.load %arg6[%swap3A, %swap3A_95] : memref<1024x1024xf32, #tpu.memory_space<vmem>>, vector<1024x1024xf32>
    tpu.vector_store %arg6[%swap3A, %swap3A_95], %dot_general3A_94 {strides = array<i32>} : memref<1024x1024xf32, #tpu.memory_space<vmem>>, vector<1024x1024xf32>,
    %swap3A_97 = arith.constant 0 : index
    %swap3A_98 = arith.constant 0 : index
    %swap3A_99 = vector.load %arg7[%swap3A_97, %swap3A_98] : memref<512x1xi32, #tpu.memory_space<vmem>>, vector<512x1xi32>
    tpu.vector_store %arg7[%swap3A_97, %swap3A_98], %convert_element_type3A_85 {strides = array<i32>} : memref<512x1xi32, #tpu.memory_space<vmem>>, vector<512x1xi32>,
    %broadcast_in_dim3A_100 = vector.shape_cast %concatenate3A_43 : vector<512x1xf32> to vector<512x1xf32>
    %broadcast_in_dim3A_101 = vector.broadcast %broadcast_in_dim3A_100 : vector<512x1xf32> to vector<512x16xf32>
    %swap3A_102 = arith.constant 0 : index
    %swap3A_103 = arith.constant 0 : index
    %swap3A_104 = vector.load %arg8[%swap3A_102, %swap3A_103] : memref<512x16xf32, #tpu.memory_space<vmem>>, vector<512x16xf32>
    tpu.vector_store %arg8[%swap3A_102, %swap3A_103], %broadcast_in_dim3A_101 {strides = array<i32>} : memref<512x16xf32, #tpu.memory_space<vmem>>, vector<512x16xf32>,
    %convert_element_type3A_105 = arith.fptosi %dot_general3A_78 : vector<1x64xf32> to vector<1x64xi32>
    %swap3A_106 = arith.constant 0 : index
    %swap3A_107 = arith.constant 0 : index
    %swap3A_108 = vector.load %arg9[%swap3A_106, %swap3A_107] : memref<1x64xi32, #tpu.memory_space<vmem>>, vector<1x64xi32>
    tpu.vector_store %arg9[%swap3A_106, %swap3A_107], %convert_element_type3A_105 {strides = array<i32>} : memref<1x64xi32, #tpu.memory_space<vmem>>, vector<1x64xi32>,
    %convert_element_type3A_109 = arith.fptosi %mul3A_72 : vector<1x64xf32> to vector<1x64xi32>
    %swap3A_110 = arith.constant 0 : index
    %swap3A_111 = arith.constant 0 : index
    %swap3A_112 = vector.load %arg10[%swap3A_110, %swap3A_111] : memref<1x64xi32, #tpu.memory_space<vmem>>, vector<1x64xi32>
    tpu.vector_store %arg10[%swap3A_110, %swap3A_111], %convert_element_type3A_109 {strides = array<i32>} : memref<1x64xi32, #tpu.memory_space<vmem>>, vector<1x64xi32>,
    %get3A_113 = arith.constant 0 : index
    %get3A_114 = arith.constant 0 : index
    %get3A_115 = vector.load %arg3[%get3A_113, %get3A_114] : memref<256x1024xf32, #tpu.memory_space<vmem>>, vector<256x1024xf32>
    %dot_general3A_116 = arith.constant dense<0.000000e+00> : vector<256x256xf32>
    %dot_general3A_117 = tpu.matmul %get3A_1, %get3A_115, %dot_general3A_116 {dimension_numbers = #tpu.dot_dimension_numbers<[1], [1], [0], [0], [0, 0, 1, 0], [], []>, transpose_lhs_hint = false} : vector<256x1024xf32>, vector<256x1024xf32>, vector<256x256xf32> -> vector<256x256xf32>
    %get3A_118 = arith.constant 0 : index
    %get3A_119 = arith.constant 0 : index
    %get3A_120 = vector.load %arg5[%get3A_118, %get3A_119] : memref<256x1024xf32, #tpu.memory_space<vmem>>, vector<256x1024xf32>
    %dot_general3A_121 = arith.constant dense<0.000000e+00> : vector<256x256xf32>
    %dot_general3A_122 = tpu.matmul %get3A_1, %get3A_120, %dot_general3A_121 {dimension_numbers = #tpu.dot_dimension_numbers<[1], [1], [0], [0], [0, 0, 1, 0], [], []>, transpose_lhs_hint = false} : vector<256x1024xf32>, vector<256x1024xf32>, vector<256x256xf32> -> vector<256x256xf32>
    %neg3A = arith.constant 0.000000e+00 : f32
    %neg3A_123 = vector.broadcast %neg3A : f32 to vector<256x256xf32>
    %neg3A_124 = arith.subf %neg3A_123, %dot_general3A_117 : vector<256x256xf32>
    %exp3A_125 = math.exp %neg3A_124 : vector<256x256xf32>
    %add3A_126 = arith.constant 1.000000e+00 : f32
    %add3A_127 = vector.broadcast %add3A_126 : f32 to vector<256x256xf32>
    %add3A_128 = arith.addf %add3A_127, %exp3A_125 : vector<256x256xf32>
    %div3A_129 = arith.constant 1.000000e+00 : f32
    %div3A_130 = vector.broadcast %div3A_129 : f32 to vector<256x256xf32>
    %div3A_131 = arith.divf %div3A_130, %add3A_128 : vector<256x256xf32>
    %mul3A_132 = arith.mulf %dot_general3A_117, %div3A_131 : vector<256x256xf32>
    %mul3A_133 = arith.mulf %mul3A_132, %dot_general3A_122 : vector<256x256xf32>
    %get3A_134 = arith.constant 0 : index
    %get3A_135 = arith.constant 0 : index
    %get3A_136 = vector.load %arg4[%get3A_134, %get3A_135] : memref<1024x256xf32, #tpu.memory_space<vmem>>, vector<1024x256xf32>
    %dot_general3A_137 = arith.constant dense<0.000000e+00> : vector<256x1024xf32>
    %dot_general3A_138 = tpu.matmul %mul3A_133, %get3A_136, %dot_general3A_137 {dimension_numbers = #tpu.dot_dimension_numbers<[1], [1], [0], [0], [0, 0, 1, 0], [], []>, transpose_lhs_hint = false} : vector<256x256xf32>, vector<1024x256xf32>, vector<256x1024xf32> -> vector<256x1024xf32>
    %swap3A_139 = arith.constant 0 : index
    %swap3A_140 = arith.constant 0 : index
    %swap3A_141 = vector.load %arg11[%swap3A_139, %swap3A_140] : memref<256x1024xf32, #tpu.memory_space<vmem>>, vector<256x1024xf32>
    tpu.vector_store %arg11[%swap3A_139, %swap3A_140], %dot_general3A_138 {strides = array<i32>} : memref<256x1024xf32, #tpu.memory_space<vmem>>, vector<256x1024xf32>,
    return
  }
}

</mosaic_0001>

<sc_bundles>
// kernel: kernel.5.cloned.1.call-start
scs
__scs_entry_jumppad:
0x0: {  	(pc) =	sbr.rel $0x88, $3  }
0x1: {  	(tag) =	ssettag $0x0;
	lr =	simm.s32 $0x1  }
0x2: {  	[smem:$0x3F98] =	sst lr;
	_ =	strace $0xD0000000  }
0x3: {  	_ = 	snop  }
0x4: {  	_ = 	snop  }
0x5: {  	_ = 	snop  }
0x6: {  	_ = 	snop  }
0x7: {  	_ = 	snop  }
__scs_overlays_trampoline_lowered:
0x8: {  	[smem:$0x3FA7] =	sst s0  }
0x9: {  	[smem:$0x3FA8] =	sst s1  }
0xa: {  	[smem:$0x3FA9] =	sst s2  }
0xb: {  	[smem:$0x3FAA] =	sst s3  }
0xc: {  	[smem:$0x3FAB] =	sst s4  }
0xd: {  	[smem:$0x3FAC] =	sst s5  }
0xe: {  	[smem:$0x3FAD] =	sst s6  }
0xf: {  	[smem:$0x3FAE] =	sst s7  }
0x10: {  	[smem:$0x3FAF] =	sst s8  }
0x11: {  	[smem:$0x3FB0] =	sst s9;
	s0 =	simm.s32 @!p0 $0x0  }
0x12: {  	s1 =	sld [smem:$0x3F96];
	s0 =	simm.s32 @p0 $0x1  }
0x13: {  	[smem:$0x3FB1] =	sst s0;
	s0 =	simm.s32 @!p1 $0x0  }
0x14: {  	s2 =	sld [smem:$0x3F95];
	s0 =	simm.s32 @p1 $0x1  }
0x15: {  	[smem:$0x3FB2] =	sst s0;
	s0 =	simm.s32 @!p2 $0x0  }
0x16: {  	s3 =	sld [smem:$0x3FDB];
	s0 =	simm.s32 @p2 $0x1  }
0x17: {  	s4 =	simm.s32 $0x1BF5;
	[smem:$0x3FB4] =	sst s0  }
0x18: {  	s0 =	sld [smem:$0x3F97];
	_ =	swait.ge [sflag:s4], $0x0  }
0x19: {  	s7 =	sld [smem:$0x3F98]  }
0x1a: {  	s8 =	sadd.s32 $0xFFFFE003, lr  }
0x1b: {  	s9 =	sadd.s32 $0xFFFFFEF7, lr;
	s5 =	simm.s32 $0xFFFFFFFF;
	p2 =	slt.u32 s8, $0xFFFFF086  }
0x1c: {  	p1 =	slt.u32 s9, $0xF7A;
	s5 =	simm.s32 @!p2 $0x0  }
0x1d: {  	s5 =	simm.s32 @p1 $0x1;
	p0 =	seq.s32 s7, s2  }
0x1e: {  	s7 =	smul.u32 @!p0 $0xF7A, s2;
	p2 =	seq.s32 @!p0 s5, $0x0  }
0x1f: {  	s9 =	smul.u32 $0xF7A, s1;
	s8 =	simm.s32 @!p0 $0x1BF5;
	p2 =	por !p2, p0  }
0x20: {  	[sflag:s8] =	ssyncset.s32 @!p0 $0xFFFFF086;
	s6 =	sadd.s32 @!p0 s3, s7;
	s7 =	simm.s32 @!p0 $0x108  }
0x21: {  	s3 =	sadd.s32 s3, s9;
	s6 =	sadd.s32 @!p0 $0x88, s6;
	s7 =	simm.s32 @p2 $0x1082  }
0x22: {  	[simem:s7], [sflag:s8] =	dma.local @!p0 [hbm:s6], $0xF7A  }
0x23: {  	s9 =	sor.u32 $0xD0000000, s2;
	s6 =	simm.s32 $0x108;
	_ =	swait.ge @!p0 [sflag:s8], $0x0  }
0x24: {  	s3 =	sadd.s32 $0x88, s3;
	s6 =	simm.s32 @!p1 $0x1082;
	[sflag:s4] =	ssyncset.s32 $0xFFFFF086  }
0x25: {  	[simem:s6], [sflag:s4] =	dma.local [hbm:s3], $0xF7A  }
0x26: {  	[smem:$0x3F98] =	sst s1;
	(tag) =	ssettag s2;
	_ =	strace s9  }
0x27: {  	s1 =	sld [smem:$0x3FA8]  }
0x28: {  	s2 =	sld [smem:$0x3FA9]  }
0x29: {  	s4 =	sld [smem:$0x3FAB]  }
0x2a: {  	p0 =	seq.s32 s5, $0x0;
	s5 =	sld [smem:$0x3FAC]  }
0x2b: {  	s6 =	sld [smem:$0x3FAD]  }
0x2c: {  	s7 =	sld [smem:$0x3FAE]  }
0x2d: {  	s3 =	simm.s32 $0x108;
	s8 =	sld [smem:$0x3FAF]  }
0x2e: {  	s3 =	simm.s32 @!p0 $0x1082;
	s9 =	sld [smem:$0x3FB0]  }
0x2f: {  	lr =	sadd.s32 s0, s3;
	s0 =	sld [smem:$0x3FA7]  }
0x30: {  	s3 =	sld [smem:$0x3FAA]  }
0x31: {  	[smem:$0x3FB3] =	sst s10  }
0x32: {  	s10 =	sld [smem:$0x3FB1];
	_ =	sdelay $0x3  }
0x33: {  	p0 =	seq.s32 s10, $0x1;
	s10 =	sld [smem:$0x3FB3];
	_ =	sdelay $0x3  }
0x34: {  	[smem:$0x3FB3] =	sst s10  }
0x35: {  	s10 =	sld [smem:$0x3FB2];
	_ =	sdelay $0x3  }
0x36: {  	p1 =	seq.s32 s10, $0x1;
	s10 =	sld [smem:$0x3FB3];
	_ =	sdelay $0x3  }
0x37: {  	[smem:$0x3FB3] =	sst s10  }
0x38: {  	s10 =	sld [smem:$0x3FB4]  }
0x39: {  	_ = 	snop;
	(pc) =	sbr.ind lr, $3  }
0x3a: {  	_ = 	snop  }
0x3b: {  	_ = 	snop  }
0x3c: {  	p2 =	seq.s32 s10, $0x1;
	s10 =	sld [smem:$0x3FB3]  }
0x3d: {  	_ =	shalt  }
0x3e: {  	_ =	shalt  }
0x3f: {  	_ =	shalt  }
0x40: {  	_ =	shalt  }
0x41: {  	_ =	shalt  }
0x42: {  	_ =	shalt  }
0x43: {  	_ =	shalt  }
0x44: {  	_ =	shalt  }
0x45: {  	_ =	shalt  }
0x46: {  	_ =	shalt  }
0x47: {  	_ =	shalt  }
0x48: {  	_ =	shalt  }
0x49: {  	_ =	shalt  }
0x4a: {  	_ =	shalt  }
0x4b: {  	_ =	shalt  }
0x4c: {  	_ =	shalt  }
0x4d: {  	_ =	shalt  }
0x4e: {  	_ =	shalt  }
0x4f: {  	_ =	shalt  }
0x50: {  	_ =	shalt  }
0x51: {  	_ =	shalt  }
0x52: {  	_ =	shalt  }
0x53: {  	_ =	shalt  }
0x54: {  	_ =	shalt  }
0x55: {  	_ =	shalt  }
0x56: {  	_ =	shalt  }
0x57: {  	_ =	shalt  }
0x58: {  	_ =	shalt  }
0x59: {  	_ =	shalt  }
0x5a: {  	_ =	shalt  }
0x5b: {  	_ =	shalt  }
0x5c: {  	_ =	shalt  }
0x5d: {  	_ =	shalt  }
0x5e: {  	_ =	shalt  }
0x5f: {  	_ =	shalt  }
0x60: {  	_ =	shalt  }
0x61: {  	_ =	shalt  }
0x62: {  	_ =	shalt  }
0x63: {  	_ =	shalt  }
0x64: {  	_ =	shalt  }
0x65: {  	_ =	shalt  }
0x66: {  	_ =	shalt  }
0x67: {  	_ =	shalt  }
0x68: {  	_ =	shalt  }
0x69: {  	_ =	shalt  }
0x6a: {  	_ =	shalt  }
0x6b: {  	_ =	shalt  }
0x6c: {  	_ =	shalt  }
0x6d: {  	_ =	shalt  }
0x6e: {  	_ =	shalt  }
0x6f: {  	_ =	shalt  }
0x70: {  	_ =	shalt  }
0x71: {  	_ =	shalt  }
0x72: {  	_ =	shalt  }
0x73: {  	_ =	shalt  }
0x74: {  	_ =	shalt  }
0x75: {  	_ =	shalt  }
0x76: {  	_ =	shalt  }
0x77: {  	_ =	shalt  }
0x78: {  	_ =	shalt  }
0x79: {  	_ =	shalt  }
0x7a: {  	_ =	shalt  }
0x7b: {  	_ =	shalt  }
0x7c: {  	_ =	shalt  }
0x7d: {  	_ =	shalt  }
0x7e: {  	_ =	shalt  }
0x7f: {  	_ =	shalt  }
0x80: {  	_ =	shalt  }
0x81: {  	_ =	shalt  }
0x82: {  	_ =	shalt  }
0x83: {  	_ =	shalt  }
0x84: {  	_ =	shalt  }
0x85: {  	_ =	shalt  }
0x86: {  	_ =	shalt  }
0x87: {  	_ =	shalt  }
.Lfunc_end0:
.L_simem_size_0:
called_computation_lowered:
.L_overlay_start_0:
0x88: {  	s2 =	sld [smem:$0x3FD9]  }
0x89: {  	s3 =	sld [smem:$0x3FFE];
	_ =	sdelay $0x1  }
0x8a: {  	s1 =	srdreg.scid  }
0x8b: {  	s0 =	sand.u32 $0x1, s1  }
0x8c: {  	s17 =	sshll.u32 s0, $0xA;
	s2 =	sadd.s32 s3, s2  }
0x8d: {  	s2 =	sadd.s32 s2, s17  }
0x8e: {  	[smem:$0x3FBF] =	sst s2  }
0x8f: {  	_ = 	snop  }
0x90: {  	s2 =	sld [smem:$0x3FD0];
	(tm) =	ssettm $0x1  }
0x91: {  	s18 =	sld [smem:$0x3FFB];
	_ =	sdelay $0x3  }
0x92: {  	_ =	strace s18  }
0x93: {  	s3 =	sld [smem:$0x3FFC];
	_ =	sdelay $0x3  }
0x94: {  	_ =	strace s3  }
0x95: {  	s3 =	sld [smem:$0x3FFD];
	_ =	sdelay $0x3  }
0x96: {  	_ =	strace s3  }
0x97: {  	_ =	strace $0x8FFFFFFF  }
0x98: {  	s19 =	sld [smem:$0x3FDB];
	_ =	sdelay $0x1  }
0x99: {  	s4 =	simm.s32 $_scs_section_size  }
0x9a: {  	s5 =	simm.s32 $_size__tile_overlayer_lowered;
	s6 =	simm.s32 $_tile_overlayer_lowered  }
0x9b: {  	s22 =	simm.s32 $0x1BFF;
	s21 =	sshll.u32 s6, $0x1;
	s3 =	sadd.s32 s4, s19  }
0x9c: {  	s7 =	simm.s32 $0x0;
	s20 =	sshll.u32 s5, $0x1;
	s5 =	sadd.s32 s21, s3  }
0x9d: {  	[timem:s7], [sflag:s22] =	dma.local [hbm:s5], s20  }
0x9e: {  	_ =	swait.ge [sflag:s22], s20  }
0x9f: {  	s4 =	ssub.s32 $0x0, s20;
	[sflag:s22] =	ssyncset.done $0x0  }
0xa0: {  	[sflag:s22] =	ssyncadd.s32 s4;
	_ =	sdelay $0x1  }
0xa1: {  	s23 =	simm.s32 $0x1B8B  }
0xa2: {  	_ =	swait.ge [sflag:s23], $0x1  }
0xa3: {  	[sflag:s23] =	ssyncset.done $0x0  }
0xa4: {  	s25 =	simm.s32 $0x1B8E;
	s24 =	sld [smem:$0x3FFE];
	[sflag:s23] =	ssyncadd.s32 $0xFFFFFFFF  }
0xa5: {  	s26 =	simm.s32 $execute0_lowered;
	[smem:$0x3FD2] =	sst s25  }
0xa6: {  	s5 =	sshll.u32 s26, $0x1;
	_ =	strace $0x80000046;
	[dreg:$0x1] =	wrdreg $0xFFFFFFFF  }
0xa7: {  	s28 =	simm.s32 $_size_execute0_lowered;
	s3 =	sadd.s32 s3, s5;
	[dreg:$0x0] =	wrdreg $0x0  }
0xa8: {  	s5 =	sshll.u32 s28, $0x1;
	[dreg:$0x2] =	wrdreg s3  }
0xa9: {  	[dreg:$0x3] =	wrdreg s5  }
0xaa: {  	[dreg:$0x4] =	wrdreg $0xC0  }
0xab: {  	_ =	task [dreg:s7], $0x5FFFF  }
0xac: {  	[dreg:$0x1] =	wrdreg $0xFFFFFFFF  }
0xad: {  	[dreg:$0x0] =	wrdreg $0x60  }
0xae: {  	[dreg:$0x2] =	wrdreg s24  }
0xaf: {  	[dreg:$0x3] =	wrdreg s2  }
0xb0: {  	[dreg:$0x4] =	wrdreg $0x9  }
0xb1: {  	_ =	task.clear_ibuf [dreg:s7], $0x5FFFF;
	_ =	strace $0x90000046  }
0xb2: {  	s29 =	simm.s32 $0x9;
	_ =	strace $0x80000048  }
0xb3: {  	_ =	swait.ge [sflag:s29], $0x1  }
0xb4: {  	[sflag:s29] =	ssyncadd.s32 $0xFFFFFFFF  }
0xb5: {  	_ =	strace $0x90000048  }
0xb6: {  	_ =	sfence  }
0xb7: {  	s30 =	sld [smem:$0x0];
	_ =	sdelay $0x2  }
0xb8: {  	s31 =	sshll.u32 s1, $0xD;
	s1 =	sshrl.u32 s1, $0x2  }
0xb9: {  	s3 =	sand.u32 $0x4000, s31;
	s1 =	sadd.s32 s1, s30  }
0xba: {  	s0 =	sor.u32 s3, s0;
	s1 =	sshll.u32 s1, $0x11  }
0xbb: {  	s0 =	sor.u32 s1, s0  }
0xbc: {  	s0 =	sadd.s32 $0x8F2B, s0  }
0xbd: {  	[sflag:s0] =	ssyncadd.remote.s32 $0x1  }
0xbe: {  	_ =	sfence.sel $0xFFFF  }
0xbf: {  	[dreg:$0x0] =	wrdreg $0xFFFFFFFF;
	(pc) =	sbr.abs _section_cstart, $3  }
0xc0: {  	[dreg:$0x1] =	wrdreg $0xFFFFFFFF  }
0xc1: {  	_ =	task.clear_ibuf [dreg:s7], $0x2FFFF;
	_ =	strace $0x9FFFFFFF  }
0xc2: {  	(tm) =	ssettm $0x7FFFFFFF  }
0xc3: {  	_ =	shalt  }
tec
execute0_lowered:
.L_overlay_start_1:
0x0: {  	(tag) =	ssettag $0x1  }
0x1: {  	s0 =	rddreg [dreg:$0x0]  }
0x2: {  	s1 =	rddreg [dreg:$0x1]  }
0x3: {  	s3 =	srdreg.scid;
	s2 =	simm.s32 $0x0;
	s5 =	stileid.u32  }
0x4: {  	s14 =	simm.s32 $0x2;
	s18 =	simm.s32 $0x4880;
	s19 =	simm.s32 $0x880  }
0x5: {  	s20 =	simm.s32 $0x1080;
	s21 =	simm.s32 $0x1880;
	s22 =	simm.s32 $0x2080  }
0x6: {  	s28 =	simm.s32 $0x1;
	s29 =	simm.s32 $0x6880;
	s30 =	simm.s32 $0x0  }
0x7: {  	s4 =	sand.u32 $0x1, s3;
	[smem:$0x7FF] =	sst s2;
	s23 =	sshll.u32 s5, $0x4  }
0x8: {  	s3 =	sadd.s32 $0xB600, s0;
	s25 =	sadd.s32 $0xB400, s0;
	s7 =	sadd.s32 $0x9400, s0  }
0x9: {  	s24 =	sshll.u32 s4, $0x3;
	_ =	strace $0x80000047;
	s4 =	ssub.s32 $0x2, s4  }
0xa: {  	s6 =	sor.u32 s24, s23;
	s9 =	sshrl.u32 s4, $0x1;
	s23 =	simm.s32 $0x2880  }
0xb: {  	s24 =	simm.s32 $0x3080;
	s12 =	sshll.u32 s6, $0x7;
	s10 =	sshrl.u32 s6, $0x3  }
0xc: {  	s11 =	sor.u32 $0x100, s6;
	s13 =	ssub.s32 s4, s9;
	s6 =	sshll.u32 s6, $0x4  }
0xd: {  	s9 =	sadd.s32 $0xB700, s0;
	s8 =	sadd.s32 s12, s0;
	s4 =	sadd.s32 s25, s10  }
0xe: {  	s26 =	sshrl.u32 s11, $0x3;
	s31 =	sshll.u32 s11, $0x4;
	s6 =	sadd.s32 s7, s6  }
0xf: {  	v2 =	vlaneseq.u32;
	s10 =	sadd.s32 $0xB800, s0;
	s11 =	sadd.s32 $0xB900, s0;
	s12 =	sadd.s32 s1, s12  }
0x10: {  	vm0 =	vmmov $0xffff;
	v1 =	vshrl.u32 v2, $0x3;
	s13 =	smax.u32 s13, $0x1;
	s5 =	sadd.s32 s25, s26;
	s7 =	sadd.s32 s7, s31  }
0x11: {  	v0 =	vand.u32 $0x7, v2;
	v2 =	vor.u32 $0x8, v2;
	v1 =	vmul.u32 $0x8, v1;
	s8 =	sadd.s32 $0x1400, s8;
	s25 =	simm.s32 $0x3880;
	s26 =	simm.s32 $0x4080  }
.LBB2_1:
0x12: {  	[tilespmem:s2], [sflag:$0x2] =	stream.linear.gather [hbm4b:s4+s2], $0x8, $0x38;
	[tilespmem:$0x8880] =	vst v63  }
0x13: {  	_ =	swait.ge [sflag:s14], $0x8  }
0x14: {  	[sflag:s14] =	ssyncset.done $0x0  }
0x15: {  	s0 =	simm.s32 $0x8;
	[sflag:s14] =	ssyncadd.s32 $0xFFFFFFF8  }
0x16: {  	[tilespmem:s0], [sflag:$0x2] =	stream.linear.gather [hbm4b:s5+s2], $0x8, $0x38;
	[tilespmem:$0x8880] =	vst v63  }
0x17: {  	_ =	swait.ge [sflag:s14], $0x8  }
0x18: {  	[sflag:s14] =	ssyncset.done $0x0  }
0x19: {  	s17 =	simm.s32 $0x80;
	[sflag:s14] =	ssyncadd.s32 $0xFFFFFFF8  }
0x1a: {  	[tilespmem:s17], [sflag:$0x2] =	stream.linear.gather [hbm4b:s6+s2], $0x400, $0x38;
	[tilespmem:$0x8880] =	vst v63  }
0x1b: {  	_ =	swait.ge [sflag:s14], $0x400  }
0x1c: {  	[sflag:s14] =	ssyncset.done $0x0  }
0x1d: {  	s1 =	simm.s32 $0x480;
	[sflag:s14] =	ssyncadd.s32 $0xFFFFFC00  }
0x1e: {  	[tilespmem:s1], [sflag:$0x2] =	stream.linear.gather [hbm4b:s7+s2], $0x400, $0x38;
	[tilespmem:$0x8880] =	vst v63  }
0x1f: {  	_ =	swait.ge [sflag:s14], $0x400  }
0x20: {  	[sflag:s14] =	ssyncset.done $0x0  }
0x21: {  	[sflag:s14] =	ssyncadd.s32 $0xFFFFFC00  }
0x22: {  	[tilespmem:s18], [sflag:$0x2] =	stream.linear.gather [hbm4b:s8+s2], $0x2000, $0x38;
	[tilespmem:$0x8880] =	vst v63  }
0x23: {  	_ =	swait.ge [sflag:s14], $0x2000  }
0x24: {  	[sflag:s14] =	ssyncset.done $0x0  }
0x25: {  	[sflag:s14] =	ssyncadd.s32 $0xFFFFE000  }
0x26: {  	v3 =	vld [tilespmem:$0x0];
	_ =	sdelay $0x4  }
0x27: {  	v4 =	vshll.u32 v3, $0x3  }
0x28: {  	v3 =	vand.u32 $0x7, v3;
	v4 =	vand.u32 $0xFFFFFFC0, v4  }
0x29: {  	v3 =	vor.u32 v3, v4  }
0x2a: {  	v4 =	vperm.xlane v3, v0;
	_ =	sdelay $0x1  }
0x2b: {  	v4 =	vadd.s32 v1, v4;
	_ =	sdelay $0x4  }
0x2c: {  	[tilespmem:s19], [sflag:$0x1] =	stream.indirect_vreg.gather [hbm4b:s3+s2], $0x80, v4, vm0, $0xb8;
	[tilespmem:$0x8880] =	vst v63  }
0x2d: {  	v3 =	vperm.xlane v3, v2  }
0x2e: {  	[tilespmem:s20], [sflag:$0x1] =	stream.indirect_vreg.gather [hbm4b:s9+s2], $0x80, v4, vm0, $0xb8;
	[tilespmem:$0x8880] =	vst v63  }
0x2f: {  	v3 =	vadd.s32 v1, v3  }
0x30: {  	[tilespmem:s21], [sflag:$0x1] =	stream.indirect_vreg.gather [hbm4b:s10+s2], $0x80, v4, vm0, $0xb8;
	[tilespmem:$0x8880] =	vst v63  }
0x31: {  	_ = 	snop  }
0x32: {  	[tilespmem:s22], [sflag:$0x1] =	stream.indirect_vreg.gather [hbm4b:s11+s2], $0x80, v4, vm0, $0xb8;
	[tilespmem:$0x8880] =	vst v63  }
0x33: {  	_ = 	snop  }
0x34: {  	[tilespmem:s23], [sflag:$0x1] =	stream.indirect_vreg.gather [hbm4b:s3+s2], $0x80, v3, vm0, $0xb8;
	[tilespmem:$0x8880] =	vst v63  }
0x35: {  	_ = 	snop  }
0x36: {  	[tilespmem:s24], [sflag:$0x1] =	stream.indirect_vreg.gather [hbm4b:s9+s2], $0x80, v3, vm0, $0xb8;
	[tilespmem:$0x8880] =	vst v63  }
0x37: {  	_ = 	snop  }
0x38: {  	[tilespmem:s25], [sflag:$0x1] =	stream.indirect_vreg.gather [hbm4b:s10+s2], $0x80, v3, vm0, $0xb8;
	[tilespmem:$0x8880] =	vst v63  }
0x39: {  	_ = 	snop  }
0x3a: {  	[tilespmem:s26], [sflag:$0x1] =	stream.indirect_vreg.gather [hbm4b:s11+s2], $0x80, v3, vm0, $0xb8;
	[tilespmem:$0x8880] =	vst v63  }
0x3b: {  	_ =	swait.ge [sflag:s28], $0x4000  }
0x3c: {  	[sflag:s28] =	ssyncset.done $0x0  }
0x3d: {  	[sflag:s28] =	ssyncadd.s32 $0xFFFFC000  }
0x3e: {  	s15 =	sand.u32 $0x70, s2;
	s1 =	sand.u32 $0x1C00, s2;
	v3 =	vld [tilespmem:$0x80]  }
0x3f: {  	s31 =	sor.u32 s15, s1;
	v4 =	vld [tilespmem:$0x480]  }
0x40: {  	v6 =	vld [tilespmem:s31+$0x880]  }
0x41: {  	v7 =	vld [tilespmem:s31+$0x2880];
	_ =	sdelay $0x1  }
0x42: {  	s16 =	simm.s32 $0x10;
	s17 =	simm.s32 $0x80  }
0x43: {  	s0 =	sand.u32 $0x70, s16;
	s1 =	sand.u32 $0x1C00, s17  }
0x44: {  	s0 =	sor.u32 s0, s1;
	v5 =	vld [tilespmem:s31+$0x4880]  }
0x45: {  	v8 =	vmul.f32 v6, v3;
	v9 =	vmul.f32 v7, v4;
	v6 =	vld [tilespmem:s0+$0x880]  }
0x46: {  	v7 =	vld [tilespmem:s0+$0x2880]  }
0x47: {  	v8 =	vadd.f32 v9, v8  }
0x48: {  	s15 =	simm.s32 $0x100;
	s1 =	simm.s32 $0x20  }
.LBB2_2:
0x49: {  	s16 =	sand.u32 $0x70, s1;
	s17 =	sand.u32 $0x1C00, s15;
	v8 =	vadd.f32 v8, v5;
	p0 =	sne.s32 s1, $0x3F0  }
.Ltmp0:
0x4a: {  	s1 =	sadd.s32 $0x10, s1;
	s16 =	sor.u32 s16, s17;
	v5 =	vld [tilespmem:s0+$0x4880];
	(pc) =	sbr.rel @p0 .LBB2_2-.Ltmp0, $4  }
0x4b: {  	v9 =	vmul.f32 v6, v3;
	v6 =	vld [tilespmem:s16+$0x880];
	v10 =	vmul.f32 v7, v4;
	[tilespmem:s31+$0x6880] =	vst v8;
	s31 =	smov.u32 s0;
	s0 =	smov.u32 s16  }
0x4c: {  	v7 =	vld [tilespmem:s0+$0x2880]  }
0x4d: {  	v8 =	vadd.f32 v10, v9  }
0x4e: {  	s15 =	sadd.s32 $0x80, s15  }
0x4f: {  	_ = 	snop  }
0x50: {  	v9 =	vld [tilespmem:s0+$0x4880]  }
0x51: {  	v3 =	vmul.f32 v6, v3;
	v4 =	vmul.f32 v7, v4;
	_ =	sdelay $0x1  }
0x52: {  	v3 =	vadd.f32 v4, v3  }
0x53: {  	v4 =	vadd.f32 v8, v5  }
0x54: {  	v3 =	vadd.f32 v3, v9  }
0x55: {  	[tilespmem:s31+$0x6880] =	vst v4  }
0x56: {  	s15 =	simm.s32 $0x0;
	[tilespmem:s0+$0x6880] =	vst v3  }
0x57: {  	s1 =	sand.u32 $0x70, s15;
	s0 =	sand.u32 $0x1C00, s15;
	v3 =	vld [tilespmem:$0x100]  }
0x58: {  	v4 =	vld [tilespmem:$0x500];
	s31 =	sor.u32 s0, s1  }
0x59: {  	v6 =	vld [tilespmem:s31+$0x900]  }
0x5a: {  	v7 =	vld [tilespmem:s31+$0x2900];
	_ =	sdelay $0x1  }
0x5b: {  	s16 =	simm.s32 $0x10;
	s17 =	simm.s32 $0x80  }
0x5c: {  	s0 =	sand.u32 $0x70, s16;
	s1 =	sand.u32 $0x1C00, s17  }
0x5d: {  	s0 =	sor.u32 s1, s0;
	v5 =	vld [tilespmem:s31+$0x4900]  }
0x5e: {  	v8 =	vmul.f32 v6, v3;
	v9 =	vmul.f32 v7, v4;
	v6 =	vld [tilespmem:s0+$0x900]  }
0x5f: {  	v7 =	vld [tilespmem:s0+$0x2900]  }
0x60: {  	v8 =	vadd.f32 v9, v8  }
0x61: {  	s15 =	simm.s32 $0x100;
	s1 =	simm.s32 $0x20  }
.LBB2_4:
0x62: {  	s16 =	sand.u32 $0x70, s1;
	s17 =	sand.u32 $0x1C00, s15;
	v8 =	vadd.f32 v8, v5;
	p0 =	sne.s32 s1, $0x3F0  }
.Ltmp1:
0x63: {  	s1 =	sadd.s32 $0x10, s1;
	s16 =	sor.u32 s17, s16;
	v5 =	vld [tilespmem:s0+$0x4900];
	(pc) =	sbr.rel @p0 .LBB2_4-.Ltmp1, $4  }
0x64: {  	v9 =	vmul.f32 v6, v3;
	v6 =	vld [tilespmem:s16+$0x900];
	v10 =	vmul.f32 v7, v4;
	[tilespmem:s31+$0x6900] =	vst v8;
	s31 =	smov.u32 s0;
	s0 =	smov.u32 s16  }
0x65: {  	v7 =	vld [tilespmem:s0+$0x2900]  }
0x66: {  	v8 =	vadd.f32 v10, v9  }
0x67: {  	s15 =	sadd.s32 $0x80, s15  }
0x68: {  	_ = 	snop  }
0x69: {  	v9 =	vld [tilespmem:s0+$0x4900]  }
0x6a: {  	v3 =	vmul.f32 v6, v3;
	v4 =	vmul.f32 v7, v4;
	_ =	sdelay $0x1  }
0x6b: {  	v3 =	vadd.f32 v4, v3  }
0x6c: {  	v4 =	vadd.f32 v8, v5  }
0x6d: {  	v3 =	vadd.f32 v3, v9  }
0x6e: {  	[tilespmem:s31+$0x6900] =	vst v4  }
0x6f: {  	s15 =	simm.s32 $0x0;
	[tilespmem:s0+$0x6900] =	vst v3  }
0x70: {  	s1 =	sand.u32 $0x70, s15;
	s0 =	sand.u32 $0x1C00, s15;
	v3 =	vld [tilespmem:$0x180]  }
0x71: {  	v4 =	vld [tilespmem:$0x580];
	s31 =	sor.u32 s0, s1  }
0x72: {  	v6 =	vld [tilespmem:s31+$0x980]  }
0x73: {  	v7 =	vld [tilespmem:s31+$0x2980];
	_ =	sdelay $0x1  }
0x74: {  	s16 =	simm.s32 $0x10;
	s17 =	simm.s32 $0x80  }
0x75: {  	s0 =	sand.u32 $0x70, s16;
	s1 =	sand.u32 $0x1C00, s17  }
0x76: {  	s0 =	sor.u32 s1, s0;
	v5 =	vld [tilespmem:s31+$0x4980]  }
0x77: {  	v8 =	vmul.f32 v6, v3;
	v9 =	vmul.f32 v7, v4;
	v6 =	vld [tilespmem:s0+$0x980]  }
0x78: {  	v7 =	vld [tilespmem:s0+$0x2980]  }
0x79: {  	v8 =	vadd.f32 v9, v8  }
0x7a: {  	s15 =	simm.s32 $0x100;
	s1 =	simm.s32 $0x20  }
.LBB2_6:
0x7b: {  	s16 =	sand.u32 $0x70, s1;
	s17 =	sand.u32 $0x1C00, s15;
	v8 =	vadd.f32 v8, v5;
	p0 =	sne.s32 s1, $0x3F0  }
.Ltmp2:
0x7c: {  	s1 =	sadd.s32 $0x10, s1;
	s16 =	sor.u32 s17, s16;
	v5 =	vld [tilespmem:s0+$0x4980];
	(pc) =	sbr.rel @p0 .LBB2_6-.Ltmp2, $4  }
0x7d: {  	v9 =	vmul.f32 v6, v3;
	v6 =	vld [tilespmem:s16+$0x980];
	v10 =	vmul.f32 v7, v4;
	[tilespmem:s31+$0x6980] =	vst v8;
	s31 =	smov.u32 s0;
	s0 =	smov.u32 s16  }
0x7e: {  	v7 =	vld [tilespmem:s0+$0x2980]  }
0x7f: {  	v8 =	vadd.f32 v10, v9  }
0x80: {  	s15 =	sadd.s32 $0x80, s15  }
0x81: {  	_ = 	snop  }
0x82: {  	v9 =	vld [tilespmem:s0+$0x4980]  }
0x83: {  	v3 =	vmul.f32 v6, v3;
	v4 =	vmul.f32 v7, v4;
	_ =	sdelay $0x1  }
0x84: {  	v3 =	vadd.f32 v4, v3  }
0x85: {  	v4 =	vadd.f32 v8, v5  }
0x86: {  	v3 =	vadd.f32 v3, v9  }
0x87: {  	[tilespmem:s31+$0x6980] =	vst v4  }
0x88: {  	s15 =	simm.s32 $0x0;
	[tilespmem:s0+$0x6980] =	vst v3  }
0x89: {  	s1 =	sand.u32 $0x70, s15;
	s0 =	sand.u32 $0x1C00, s15;
	v3 =	vld [tilespmem:$0x200]  }
0x8a: {  	v4 =	vld [tilespmem:$0x600];
	s31 =	sor.u32 s0, s1  }
0x8b: {  	v6 =	vld [tilespmem:s31+$0xA00]  }
0x8c: {  	v7 =	vld [tilespmem:s31+$0x2A00];
	_ =	sdelay $0x1  }
0x8d: {  	s16 =	simm.s32 $0x10;
	s17 =	simm.s32 $0x80  }
0x8e: {  	s0 =	sand.u32 $0x70, s16;
	s1 =	sand.u32 $0x1C00, s17  }
0x8f: {  	s0 =	sor.u32 s1, s0;
	v5 =	vld [tilespmem:s31+$0x4A00]  }
0x90: {  	v8 =	vmul.f32 v6, v3;
	v9 =	vmul.f32 v7, v4;
	v6 =	vld [tilespmem:s0+$0xA00]  }
0x91: {  	v7 =	vld [tilespmem:s0+$0x2A00]  }
0x92: {  	v8 =	vadd.f32 v9, v8  }
0x93: {  	s15 =	simm.s32 $0x100;
	s1 =	simm.s32 $0x20  }
.LBB2_8:
0x94: {  	s16 =	sand.u32 $0x70, s1;
	s17 =	sand.u32 $0x1C00, s15;
	v8 =	vadd.f32 v8, v5;
	p0 =	sne.s32 s1, $0x3F0  }
.Ltmp3:
0x95: {  	s1 =	sadd.s32 $0x10, s1;
	s16 =	sor.u32 s17, s16;
	v5 =	vld [tilespmem:s0+$0x4A00];
	(pc) =	sbr.rel @p0 .LBB2_8-.Ltmp3, $4  }
0x96: {  	v9 =	vmul.f32 v6, v3;
	v6 =	vld [tilespmem:s16+$0xA00];
	v10 =	vmul.f32 v7, v4;
	[tilespmem:s31+$0x6A00] =	vst v8;
	s31 =	smov.u32 s0;
	s0 =	smov.u32 s16  }
0x97: {  	v7 =	vld [tilespmem:s0+$0x2A00]  }
0x98: {  	v8 =	vadd.f32 v10, v9  }
0x99: {  	s15 =	sadd.s32 $0x80, s15  }
0x9a: {  	_ = 	snop  }
0x9b: {  	v9 =	vld [tilespmem:s0+$0x4A00]  }
0x9c: {  	v3 =	vmul.f32 v6, v3;
	v4 =	vmul.f32 v7, v4;
	_ =	sdelay $0x1  }
0x9d: {  	v3 =	vadd.f32 v4, v3  }
0x9e: {  	v4 =	vadd.f32 v8, v5  }
0x9f: {  	v3 =	vadd.f32 v3, v9  }
0xa0: {  	[tilespmem:s31+$0x6A00] =	vst v4  }
0xa1: {  	s15 =	simm.s32 $0x0;
	[tilespmem:s0+$0x6A00] =	vst v3  }
0xa2: {  	s1 =	sand.u32 $0x70, s15;
	s0 =	sand.u32 $0x1C00, s15;
	v3 =	vld [tilespmem:$0x280]  }
0xa3: {  	v4 =	vld [tilespmem:$0x680];
	s31 =	sor.u32 s0, s1  }
0xa4: {  	v6 =	vld [tilespmem:s31+$0xA80]  }
0xa5: {  	v7 =	vld [tilespmem:s31+$0x2A80];
	_ =	sdelay $0x1  }
0xa6: {  	s16 =	simm.s32 $0x10;
	s17 =	simm.s32 $0x80  }
0xa7: {  	s0 =	sand.u32 $0x70, s16;
	s1 =	sand.u32 $0x1C00, s17  }
0xa8: {  	s0 =	sor.u32 s1, s0;
	v5 =	vld [tilespmem:s31+$0x4A80]  }
0xa9: {  	v8 =	vmul.f32 v6, v3;
	v9 =	vmul.f32 v7, v4;
	v6 =	vld [tilespmem:s0+$0xA80]  }
0xaa: {  	v7 =	vld [tilespmem:s0+$0x2A80]  }
0xab: {  	v8 =	vadd.f32 v9, v8  }
0xac: {  	s15 =	simm.s32 $0x100;
	s1 =	simm.s32 $0x20  }
.LBB2_10:
0xad: {  	s16 =	sand.u32 $0x70, s1;
	s17 =	sand.u32 $0x1C00, s15;
	v8 =	vadd.f32 v8, v5;
	p0 =	sne.s32 s1, $0x3F0  }
.Ltmp4:
0xae: {  	s1 =	sadd.s32 $0x10, s1;
	s16 =	sor.u32 s17, s16;
	v5 =	vld [tilespmem:s0+$0x4A80];
	(pc) =	sbr.rel @p0 .LBB2_10-.Ltmp4, $4  }
0xaf: {  	v9 =	vmul.f32 v6, v3;
	v6 =	vld [tilespmem:s16+$0xA80];
	v10 =	vmul.f32 v7, v4;
	[tilespmem:s31+$0x6A80] =	vst v8;
	s31 =	smov.u32 s0;
	s0 =	smov.u32 s16  }
0xb0: {  	v7 =	vld [tilespmem:s0+$0x2A80]  }
0xb1: {  	v8 =	vadd.f32 v10, v9  }
0xb2: {  	s15 =	sadd.s32 $0x80, s15  }
0xb3: {  	_ = 	snop  }
0xb4: {  	v9 =	vld [tilespmem:s0+$0x4A80]  }
0xb5: {  	v3 =	vmul.f32 v6, v3;
	v4 =	vmul.f32 v7, v4;
	_ =	sdelay $0x1  }
0xb6: {  	v3 =	vadd.f32 v4, v3  }
0xb7: {  	v4 =	vadd.f32 v8, v5  }
0xb8: {  	v3 =	vadd.f32 v3, v9  }
0xb9: {  	[tilespmem:s31+$0x6A80] =	vst v4  }
0xba: {  	s15 =	simm.s32 $0x0;
	[tilespmem:s0+$0x6A80] =	vst v3  }
0xbb: {  	s1 =	sand.u32 $0x70, s15;
	s0 =	sand.u32 $0x1C00, s15;
	v3 =	vld [tilespmem:$0x300]  }
0xbc: {  	v4 =	vld [tilespmem:$0x700];
	s31 =	sor.u32 s0, s1  }
0xbd: {  	v6 =	vld [tilespmem:s31+$0xB00]  }
0xbe: {  	v7 =	vld [tilespmem:s31+$0x2B00];
	_ =	sdelay $0x1  }
0xbf: {  	s16 =	simm.s32 $0x10;
	s17 =	simm.s32 $0x80  }
0xc0: {  	s0 =	sand.u32 $0x70, s16;
	s1 =	sand.u32 $0x1C00, s17  }
0xc1: {  	s0 =	sor.u32 s1, s0;
	v5 =	vld [tilespmem:s31+$0x4B00]  }
0xc2: {  	v8 =	vmul.f32 v6, v3;
	v9 =	vmul.f32 v7, v4;
	v6 =	vld [tilespmem:s0+$0xB00]  }
0xc3: {  	v7 =	vld [tilespmem:s0+$0x2B00]  }
0xc4: {  	v8 =	vadd.f32 v9, v8  }
0xc5: {  	s15 =	simm.s32 $0x100;
	s1 =	simm.s32 $0x20  }
.LBB2_12:
0xc6: {  	s16 =	sand.u32 $0x70, s1;
	s17 =	sand.u32 $0x1C00, s15;
	v8 =	vadd.f32 v8, v5;
	p0 =	sne.s32 s1, $0x3F0  }
.Ltmp5:
0xc7: {  	s1 =	sadd.s32 $0x10, s1;
	s16 =	sor.u32 s17, s16;
	v5 =	vld [tilespmem:s0+$0x4B00];
	(pc) =	sbr.rel @p0 .LBB2_12-.Ltmp5, $4  }
0xc8: {  	v9 =	vmul.f32 v6, v3;
	v6 =	vld [tilespmem:s16+$0xB00];
	v10 =	vmul.f32 v7, v4;
	[tilespmem:s31+$0x6B00] =	vst v8;
	s31 =	smov.u32 s0;
	s0 =	smov.u32 s16  }
0xc9: {  	v7 =	vld [tilespmem:s0+$0x2B00]  }
0xca: {  	v8 =	vadd.f32 v10, v9  }
0xcb: {  	s15 =	sadd.s32 $0x80, s15  }
0xcc: {  	_ = 	snop  }
0xcd: {  	v9 =	vld [tilespmem:s0+$0x4B00]  }
0xce: {  	v3 =	vmul.f32 v6, v3;
	v4 =	vmul.f32 v7, v4;
	_ =	sdelay $0x1  }
0xcf: {  	v3 =	vadd.f32 v4, v3  }
0xd0: {  	v4 =	vadd.f32 v8, v5  }
0xd1: {  	v3 =	vadd.f32 v3, v9  }
0xd2: {  	[tilespmem:s31+$0x6B00] =	vst v4  }
0xd3: {  	s15 =	simm.s32 $0x0;
	[tilespmem:s0+$0x6B00] =	vst v3  }
0xd4: {  	s1 =	sand.u32 $0x70, s15;
	s0 =	sand.u32 $0x1C00, s15;
	v3 =	vld [tilespmem:$0x380]  }
0xd5: {  	v4 =	vld [tilespmem:$0x780];
	s31 =	sor.u32 s0, s1  }
0xd6: {  	v6 =	vld [tilespmem:s31+$0xB80]  }
0xd7: {  	v7 =	vld [tilespmem:s31+$0x2B80];
	_ =	sdelay $0x1  }
0xd8: {  	s16 =	simm.s32 $0x10;
	s17 =	simm.s32 $0x80  }
0xd9: {  	s0 =	sand.u32 $0x70, s16;
	s1 =	sand.u32 $0x1C00, s17  }
0xda: {  	s0 =	sor.u32 s1, s0;
	v5 =	vld [tilespmem:s31+$0x4B80]  }
0xdb: {  	v8 =	vmul.f32 v6, v3;
	v9 =	vmul.f32 v7, v4;
	v6 =	vld [tilespmem:s0+$0xB80]  }
0xdc: {  	v7 =	vld [tilespmem:s0+$0x2B80]  }
0xdd: {  	v8 =	vadd.f32 v9, v8  }
0xde: {  	s15 =	simm.s32 $0x100;
	s1 =	simm.s32 $0x20  }
.LBB2_14:
0xdf: {  	s16 =	sand.u32 $0x70, s1;
	s17 =	sand.u32 $0x1C00, s15;
	v8 =	vadd.f32 v8, v5;
	p0 =	sne.s32 s1, $0x3F0  }
.Ltmp6:
0xe0: {  	s1 =	sadd.s32 $0x10, s1;
	s16 =	sor.u32 s17, s16;
	v5 =	vld [tilespmem:s0+$0x4B80];
	(pc) =	sbr.rel @p0 .LBB2_14-.Ltmp6, $4  }
0xe1: {  	v9 =	vmul.f32 v6, v3;
	v6 =	vld [tilespmem:s16+$0xB80];
	v10 =	vmul.f32 v7, v4;
	[tilespmem:s31+$0x6B80] =	vst v8;
	s31 =	smov.u32 s0;
	s0 =	smov.u32 s16  }
0xe2: {  	v7 =	vld [tilespmem:s0+$0x2B80]  }
0xe3: {  	v8 =	vadd.f32 v10, v9  }
0xe4: {  	s15 =	sadd.s32 $0x80, s15  }
0xe5: {  	_ = 	snop  }
0xe6: {  	v9 =	vld [tilespmem:s0+$0x4B80]  }
0xe7: {  	v3 =	vmul.f32 v6, v3;
	v4 =	vmul.f32 v7, v4;
	_ =	sdelay $0x1  }
0xe8: {  	v3 =	vadd.f32 v4, v3  }
0xe9: {  	v4 =	vadd.f32 v8, v5  }
0xea: {  	v3 =	vadd.f32 v3, v9  }
0xeb: {  	[tilespmem:s31+$0x6B80] =	vst v4  }
0xec: {  	s16 =	simm.s32 $0x0;
	[tilespmem:s0+$0x6B80] =	vst v3  }
0xed: {  	s1 =	sor.u32 s16, s16;
	v3 =	vld [tilespmem:$0x400]  }
0xee: {  	s15 =	sand.u32 $0x70, s16;
	s31 =	sor.u32 $0x380, s1;
	s0 =	sand.u32 $0x1C00, s16;
	v4 =	vld [tilespmem:$0x800]  }
0xef: {  	v5 =	vld [tilespmem:s31+$0x880];
	s0 =	sor.u32 s15, s0  }
0xf0: {  	v6 =	vld [tilespmem:s0+$0x2C00];
	_ =	sdelay $0x3  }
0xf1: {  	v7 =	vld [tilespmem:s31+$0x4880]  }
0xf2: {  	v5 =	vmul.f32 v5, v3;
	v6 =	vmul.f32 v6, v4;
	_ =	sdelay $0x1  }
0xf3: {  	v5 =	vadd.f32 v6, v5  }
0xf4: {  	s17 =	simm.s32 $0x10;
	s0 =	simm.s32 $0x80  }
0xf5: {  	s16 =	sand.u32 $0x70, s17;
	s1 =	sor.u32 s0, s17;
	v5 =	vadd.f32 v5, v7  }
0xf6: {  	s17 =	sand.u32 $0x1C00, s0;
	s15 =	sor.u32 $0x380, s1;
	s1 =	simm.s32 $0x20  }
.LBB2_16:
0xf7: {  	p0 =	sne.s32 s1, $0x3F0;
	v6 =	vld [tilespmem:s15+$0x880];
	s16 =	sor.u32 s16, s17;
	[tilespmem:s31+$0x6880] =	vst v5;
	s31 =	smov.u32 s15  }
0xf8: {  	v5 =	vld [tilespmem:s16+$0x2C00];
	_ =	sdelay $0x3  }
0xf9: {  	v7 =	vld [tilespmem:s31+$0x4880]  }
0xfa: {  	v6 =	vmul.f32 v6, v3;
	v5 =	vmul.f32 v5, v4  }
.Ltmp7:
0xfb: {  	(pc) =	sbr.rel @p0 .LBB2_16-.Ltmp7, $4  }
0xfc: {  	v5 =	vadd.f32 v5, v6  }
0xfd: {  	s0 =	sadd.s32 $0x80, s0  }
0xfe: {  	s16 =	sand.u32 $0x70, s1;
	s15 =	sor.u32 s0, s1;
	v5 =	vadd.f32 v5, v7  }
0xff: {  	s17 =	sand.u32 $0x1C00, s0;
	s1 =	sadd.s32 $0x10, s1;
	s15 =	sor.u32 $0x380, s15  }
0x100: {  	v6 =	vld [tilespmem:s15+$0x880];
	s0 =	sor.u32 s16, s17;
	[tilespmem:s31+$0x6880] =	vst v5  }
0x101: {  	v5 =	vld [tilespmem:s0+$0x2C00];
	_ =	sdelay $0x3  }
0x102: {  	v7 =	vld [tilespmem:s15+$0x4880]  }
0x103: {  	v3 =	vmul.f32 v6, v3;
	v4 =	vmul.f32 v5, v4;
	_ =	sdelay $0x1  }
0x104: {  	v3 =	vadd.f32 v4, v3;
	_ =	sdelay $0x1  }
0x105: {  	s30 =	sadd.s32 $0x1, s30;
	v3 =	vadd.f32 v3, v7  }
0x106: {  	p0 =	sne.s32 s30, s13  }
.Ltmp8:
0x107: {  	[tilespmem:s15+$0x6880] =	vst v3;
	(pc) =	sbr.rel @p0 .LBB2_1-.Ltmp8, $4  }
0x108: {  	[hbm4b:s12+s2] =	stream.linear.scatter [tilespmem:s29], [sflag:$0x2], $0x2000, $0x38;
	[tilespmem:$0x8880] =	vst v63  }
0x109: {  	_ =	swait.ge [sflag:s14], $0x2000  }
0x10a: {  	[sflag:s14] =	ssyncset.done $0x0  }
0x10b: {  	[sflag:s14] =	ssyncadd.s32 $0xFFFFE000  }
0x10c: {  	_ =	sfence.sel $0x180000  }
0x10d: {  	[bflag:$0x0] =	sbarrier.arrive $0xFFFF  }
0x10e: {  	_ =	strace $0x90000047  }
0x10f: {  	s0 =	stileid.u32;
	[bflag:$0x2] =	sbarrier.arrive $0xFFFF  }
0x110: {  	p0 =	sne.s32 s0, $0x0;
	s0 =	rddreg [dreg:$0x2]  }
0x111: {  	s0 =	sadd.s32 @!p0 $0x100000, s0  }
0x112: {  	[sflag:s0] =	ssyncadd.tile.s32 @!p0 $0x1;
	_ =	shalt  }
.Lfunc_end2:
_tile_overlayer_lowered:
.L_overlay_start_2:
0x113: {  	(tag) =	ssettag $0x2  }
0x114: {  	s0 =	rddreg [dreg:$0x0];
	s2 =	stileid.u32  }
0x115: {  	s1 =	rddreg [dreg:$0x1];
	p0 =	sne.s32 s2, $0x0  }
0x116: {  	s3 =	rddreg [dreg:$0x2];
	[bflag:$0x3] =	sbarrier.arrive $0xFFFF;
	s2 =	simm.s32 @!p0 $0x1C02  }
0x117: {  	[timem:s3], [sflag:s2] =	dma.local @!p0 [hbm:s0], s1  }
0x118: {  	s0 =	simm.s32 @!p0 $0x2  }
0x119: {  	_ =	swait.ge @!p0 [sflag:s0], s1  }
0x11a: {  	s1 =	ssub.s32 @!p0 $0x0, s1;
	[sflag:s0] =	ssyncset.done @!p0 $0x0  }
0x11b: {  	[sflag:s0] =	ssyncadd.s32 @!p0 s1  }
0x11c: {  	[bflag:$0x3] =	sbarrier.arrive $0xFFFF  }
0x11d: {  	_ =	shalt  }

</sc_bundles>
